<compile_context>
chip_gen: v7x
topology: tpu7x:2x2x1
jax: 0.10.2.dev20260603
libtpu: 0.0.44.dev20260713+nightly
codegen_flags: <defaults>
</compile_context>

<pallas_src>
import jax
import jax.numpy as jnp
from jax import lax
from jax.experimental import pallas as pl
from jax.experimental.pallas import tpu as pltpu

EPS = 1e-8
TOPK = 12


def _p1_body(th_ref, fp_ref, bp_ref, q_ref, pf_ref, pb_ref, af_ref, ab_ref,
             cnt_ref):
    h = pl.program_id(1)
    x = q_ref[0]
    fp = fp_ref[0]
    bp = bp_ref[0]
    tf = th_ref[0]
    tb = th_ref[1]
    qn = jnp.maximum(jnp.sqrt(jnp.sum(x * x, axis=0, keepdims=True)), EPS)
    nf = jnp.maximum(jnp.sqrt(jnp.sum(fp * fp)), EPS)
    nb = jnp.maximum(jnp.sqrt(jnp.sum(bp * bp)), EPS)
    sf = jnp.sum(x * fp, axis=0, keepdims=True) / (qn * nf)
    sb = jnp.sum(x * bp, axis=0, keepdims=True) / (qn * nb)
    z = 10.0 * (sf - sb)
    pf = 1.0 / (1.0 + jnp.exp(-z))
    pb = 1.0 / (1.0 + jnp.exp(z))
    pf_ref[0, 0] = pf
    pb_ref[0, 0] = pb
    mf = (pf > tf).astype(jnp.float32)
    mb = (pb > tb).astype(jnp.float32)
    sumf = jnp.sum(x * mf, axis=1, keepdims=True)[None]
    sumb = jnp.sum(x * mb, axis=1, keepdims=True)[None]
    lane = lax.broadcasted_iota(jnp.int32, (1, 1, 8), 2)
    crow = jnp.where(lane == 0, jnp.sum(mf),
                     jnp.where(lane == 1, jnp.sum(mb), 0.0))

    @pl.when(h == 0)
    def _():
        af_ref[...] = sumf
        ab_ref[...] = sumb
        cnt_ref[...] = crow

    @pl.when(h != 0)
    def _():
        af_ref[...] += sumf
        ab_ref[...] += sumb
        cnt_ref[...] += crow


def _tk1_body(pf_ref, pb_ref, wf_ref, wb_ref):
    hw = pf_ref.shape[-1]
    iota = lax.broadcasted_iota(jnp.int32, (1, hw), 1)

    def topw(p):
        x = p
        w = jnp.zeros_like(p)
        for _ in range(TOPK):
            m = jnp.max(x)
            fi = jnp.min(jnp.where(x == m, iota, hw))
            hit = iota == fi
            w = w + hit.astype(jnp.float32)
            x = jnp.where(hit, -jnp.inf, x)
        return w

    wf_ref[0] = topw(pf_ref[0])
    wb_ref[0] = topw(pb_ref[0])


def _tk2_body(q_ref, wf_ref, wb_ref, tf_ref, tb_ref):
    h = pl.program_id(1)
    x = q_ref[0]
    wf = wf_ref[0, 0]
    wb = wb_ref[0, 0]
    sumf = jnp.sum(x * wf, axis=1, keepdims=True)[None]
    sumb = jnp.sum(x * wb, axis=1, keepdims=True)[None]

    @pl.when(h == 0)
    def _():
        tf_ref[...] = sumf
        tb_ref[...] = sumb

    @pl.when(h != 0)
    def _():
        tf_ref[...] += sumf
        tb_ref[...] += sumb


def _p2_body(fgp_ref, bgp_ref, q_ref, a_ref, d_ref, mm_ref):
    b = pl.program_id(0)
    h = pl.program_id(1)
    x = q_ref[0]
    fg = fgp_ref[0]
    bg = bgp_ref[0]
    qn = jnp.maximum(jnp.sqrt(jnp.sum(x * x, axis=0, keepdims=True)), EPS)
    nf = jnp.maximum(jnp.sqrt(jnp.sum(fg * fg)), EPS)
    nb = jnp.maximum(jnp.sqrt(jnp.sum(bg * bg)), EPS)
    a = jnp.sum(x * fg, axis=0, keepdims=True) / (qn * nf)
    d = jnp.sum(x * bg, axis=0, keepdims=True) / (qn * nb)
    a_ref[0, 0] = a
    d_ref[0, 0] = d
    lane = lax.broadcasted_iota(jnp.int32, (1, 8), 1)
    row = jnp.where(lane == 0, jnp.min(a),
                    jnp.where(lane == 1, jnp.max(a),
                              jnp.where(lane == 2, jnp.min(d),
                                        jnp.where(lane == 3, jnp.max(d),
                                                  0.0))))

    @pl.when(jnp.logical_and(b == 0, h == 0))
    def _():
        mm_ref[...] = row

    @pl.when(jnp.logical_or(b != 0, h != 0))
    def _():
        cur = mm_ref[...]
        minl = jnp.logical_or(lane == 0, lane == 2)
        mm_ref[...] = jnp.where(minl, jnp.minimum(cur, row),
                                jnp.maximum(cur, row))


def _p3_body(mm_ref, q_ref, a_ref, d_ref, o_ref):
    x = q_ref[0]
    a = a_ref[0, 0]
    d = d_ref[0, 0]
    an = (a - mm_ref[0]) / (mm_ref[1] - mm_ref[0])
    dn = (d - mm_ref[2]) / (mm_ref[3] - mm_ref[2])
    o_ref[0] = x * (an + (1.0 - dn))


def kernel(supp_fp, supp_bp, query_fea, tau):
    bs, C, H, W = query_fea.shape
    hw = H * W
    T = 2048
    nblk = hw // T
    f32 = jnp.float32
    q = query_fea.reshape(bs, C, hw)
    fp = supp_fp.reshape(bs, C, 1)
    bp = supp_bp.reshape(bs, C, 1)
    ft = jax.nn.sigmoid(tau)
    th = jnp.stack([ft, 1.0 - ft]).astype(f32)

    pf, pb, af, ab, cnt = pl.pallas_call(
        _p1_body,
        grid=(bs, nblk),
        in_specs=[
            pl.BlockSpec(memory_space=pltpu.SMEM),
            pl.BlockSpec((1, C, 1), lambda b, h: (b, 0, 0)),
            pl.BlockSpec((1, C, 1), lambda b, h: (b, 0, 0)),
            pl.BlockSpec((1, C, T), lambda b, h: (b, 0, h)),
        ],
        out_specs=[
            pl.BlockSpec((1, 1, 1, T), lambda b, h: (b, h, 0, 0)),
            pl.BlockSpec((1, 1, 1, T), lambda b, h: (b, h, 0, 0)),
            pl.BlockSpec((1, C, 1), lambda b, h: (b, 0, 0)),
            pl.BlockSpec((1, C, 1), lambda b, h: (b, 0, 0)),
            pl.BlockSpec((1, 1, 8), lambda b, h: (b, 0, 0)),
        ],
        out_shape=[
            jax.ShapeDtypeStruct((bs, nblk, 1, T), f32),
            jax.ShapeDtypeStruct((bs, nblk, 1, T), f32),
            jax.ShapeDtypeStruct((bs, C, 1), f32),
            jax.ShapeDtypeStruct((bs, C, 1), f32),
            jax.ShapeDtypeStruct((bs, 1, 8), f32),
        ],
    )(th, fp, bp, q)

    cf = cnt[:, 0, 0]
    cb = cnt[:, 0, 1]
    need = jnp.logical_or(jnp.any(cf == 0), jnp.any(cb == 0))

    def topk_fn(_):
        wf, wb = pl.pallas_call(
            _tk1_body,
            grid=(bs,),
            in_specs=[
                pl.BlockSpec((1, 1, hw), lambda b: (b, 0, 0)),
                pl.BlockSpec((1, 1, hw), lambda b: (b, 0, 0)),
            ],
            out_specs=[
                pl.BlockSpec((1, 1, hw), lambda b: (b, 0, 0)),
                pl.BlockSpec((1, 1, hw), lambda b: (b, 0, 0)),
            ],
            out_shape=[
                jax.ShapeDtypeStruct((bs, 1, hw), f32),
                jax.ShapeDtypeStruct((bs, 1, hw), f32),
            ],
        )(pf.reshape(bs, 1, hw), pb.reshape(bs, 1, hw))
        tf, tb = pl.pallas_call(
            _tk2_body,
            grid=(bs, nblk),
            in_specs=[
                pl.BlockSpec((1, C, T), lambda b, h: (b, 0, h)),
                pl.BlockSpec((1, 1, 1, T), lambda b, h: (b, h, 0, 0)),
                pl.BlockSpec((1, 1, 1, T), lambda b, h: (b, h, 0, 0)),
            ],
            out_specs=[
                pl.BlockSpec((1, C, 1), lambda b, h: (b, 0, 0)),
                pl.BlockSpec((1, C, 1), lambda b, h: (b, 0, 0)),
            ],
            out_shape=[
                jax.ShapeDtypeStruct((bs, C, 1), f32),
                jax.ShapeDtypeStruct((bs, C, 1), f32),
            ],
        )(q, wf.reshape(bs, nblk, 1, T), wb.reshape(bs, nblk, 1, T))
        return tf[:, :, 0] / TOPK, tb[:, :, 0] / TOPK

    def zeros_fn(_):
        return jnp.zeros((bs, C), f32), jnp.zeros((bs, C), f32)

    tkf, tkb = lax.cond(need, topk_fn, zeros_fn, None)

    mf = af[:, :, 0] / jnp.maximum(cf, 1.0)[:, None]
    mb = ab[:, :, 0] / jnp.maximum(cb, 1.0)[:, None]
    fgp = jnp.where((cf > 0)[:, None], mf, tkf)
    bgp = jnp.where((cb > 0)[:, None], mb, tkb)

    a, d, mm = pl.pallas_call(
        _p2_body,
        grid=(bs, nblk),
        in_specs=[
            pl.BlockSpec((1, C, 1), lambda b, h: (b, 0, 0)),
            pl.BlockSpec((1, C, 1), lambda b, h: (b, 0, 0)),
            pl.BlockSpec((1, C, T), lambda b, h: (b, 0, h)),
        ],
        out_specs=[
            pl.BlockSpec((1, 1, 1, T), lambda b, h: (b, h, 0, 0)),
            pl.BlockSpec((1, 1, 1, T), lambda b, h: (b, h, 0, 0)),
            pl.BlockSpec((1, 8), lambda b, h: (0, 0)),
        ],
        out_shape=[
            jax.ShapeDtypeStruct((bs, nblk, 1, T), f32),
            jax.ShapeDtypeStruct((bs, nblk, 1, T), f32),
            jax.ShapeDtypeStruct((1, 8), f32),
        ],
    )(fgp.reshape(bs, C, 1), bgp.reshape(bs, C, 1), q)

    qo = pl.pallas_call(
        _p3_body,
        grid=(bs, nblk),
        in_specs=[
            pl.BlockSpec(memory_space=pltpu.SMEM),
            pl.BlockSpec((1, C, T), lambda b, h: (b, 0, h)),
            pl.BlockSpec((1, 1, 1, T), lambda b, h: (b, h, 0, 0)),
            pl.BlockSpec((1, 1, 1, T), lambda b, h: (b, h, 0, 0)),
        ],
        out_specs=pl.BlockSpec((1, C, T), lambda b, h: (b, 0, h)),
        out_shape=jax.ShapeDtypeStruct((bs, C, hw), f32),
    )(mm.reshape(8), q, a, d)

    return (qo.reshape(bs, C, H, W), fgp.reshape(bs, C, 1, 1),
            bgp.reshape(bs, C, 1, 1))

# --- scband reference (transcript-rebuilt; emitter-appended) ---
"""Pipeline reference for scband-enhence-65730179498739 (READ-ONLY COPY).

The authoritative reference and input builder live on the scoring server;
editing this copy changes nothing except your own understanding.
"""

import jax, jax.numpy as jnp
import numpy as np


def _cos(a, b, eps=1e-8):
    dot = jnp.sum(a * b, axis=1)
    na = jnp.sqrt(jnp.sum(a * a, axis=1))
    nb = jnp.sqrt(jnp.sum(b * b, axis=1))
    return dot / (jnp.maximum(na, eps) * jnp.maximum(nb, eps))


def setup_inputs(seed: int = 0):
    key = jax.random.key(seed)
    k1, k2, k3 = jax.random.split(key, 3)
    bs, C, H, W = 8, 96, 128, 128
    supp_fp = jax.random.normal(k1, (bs, C, 1, 1), dtype=jnp.float32)
    supp_bp = jax.random.normal(k2, (bs, C, 1, 1), dtype=jnp.float32)
    query_fea = jax.random.normal(k3, (bs, C, H, W), dtype=jnp.float32)
    tau = jnp.asarray(0.5, dtype=jnp.float32)  # learned parameter of SSP_func
    return {"supp_fp": supp_fp, "supp_bp": supp_bp, "query_fea": query_fea, "tau": tau}


def reference(supp_fp, supp_bp, query_fea, tau):
    bs, C, H, W = query_fea.shape
    # similarity_func
    sim_fg = _cos(query_fea, supp_fp)
    sim_bg = _cos(query_fea, supp_bp)
    out = jnp.stack([sim_bg, sim_fg], axis=1) * 10.0  # [bs, 2, H, W]
    # SSP_func
    pred = jax.nn.softmax(out, axis=1).reshape(bs, 2, -1)
    pred_fg = pred[:, 1]
    pred_bg = pred[:, 0]
    fg_thres = jax.nn.sigmoid(tau)
    bg_thres = 1.0 - fg_thres
    feat = query_fea.reshape(bs, C, -1)

    def proto(pred_x, thres):
        mask = (pred_x > thres).astype(feat.dtype)  # [bs, HW]
        cnt = jnp.sum(mask, axis=1)  # [bs]
        # mean over selected columns == masked sum / count
        masked_mean = jnp.sum(feat * mask[:, None, :], axis=2) / jnp.maximum(cnt, 1.0)[:, None]
        _, idx = jax.lax.top_k(pred_x, 12)  # [bs, 12]
        topk_feat = jnp.take_along_axis(feat, idx[:, None, :], axis=2)  # [bs, C, 12]
        topk_mean = jnp.mean(topk_feat, axis=2)
        return jnp.where((cnt > 0)[:, None], masked_mean, topk_mean)  # [bs, C]

    fg_proto = proto(pred_fg, fg_thres).reshape(bs, C, 1, 1)
    bg_proto = proto(pred_bg, bg_thres).reshape(bs, C, 1, 1)
    # activation maps
    act = _cos(query_fea, fg_proto)[:, None]  # [bs, 1, H, W]
    deact = _cos(query_fea, bg_proto)[:, None]
    act = (act - jnp.min(act)) / (jnp.max(act) - jnp.min(act))
    deact = (deact - jnp.min(deact)) / (jnp.max(deact) - jnp.min(deact))
    q_out = query_fea * act + query_fea * (1.0 - deact)
    return (q_out, fg_proto, bg_proto)

if __name__ == "__main__":
    import jax
    _d = setup_inputs()
    print(jax.jit(kernel)(*tuple(_d.values())))

</pallas_src>

<mosaic_0001>
module attributes {stable_mosaic.version = 14 : i64} {
  func.func @_p1_body(%arg0: i32, %arg1: i32, %arg2: memref<2xf32, #tpu.memory_space<smem>>, %arg3: memref<1x96x1xf32, #tpu.memory_space<vmem>>, %arg4: memref<1x96x1xf32, #tpu.memory_space<vmem>>, %arg5: memref<1x96x2048xf32, #tpu.memory_space<vmem>>, %arg6: memref<1x1x1x2048xf32, #tpu.memory_space<vmem>>, %arg7: memref<1x1x1x2048xf32, #tpu.memory_space<vmem>>, %arg8: memref<1x96x1xf32, #tpu.memory_space<vmem>>, %arg9: memref<1x96x1xf32, #tpu.memory_space<vmem>>, %arg10: memref<1x1x8xf32, #tpu.memory_space<vmem>>) attributes {dimension_semantics = [#tpu.dimension_semantics<arbitrary>, #tpu.dimension_semantics<arbitrary>], iteration_bounds = array<i64: 8, 8>, scalar_prefetch = 0 : i64, scratch_operands = 0 : i64, tpu.core_type = #tpu.core_type<tc>, window_params = [{transform_indices = @transform_0, window_bounds = array<i64: 2>}, {transform_indices = @transform_1, window_bounds = array<i64: 1, 96, 1>}, {transform_indices = @transform_2, window_bounds = array<i64: 1, 96, 1>}, {transform_indices = @transform_3, window_bounds = array<i64: 1, 96, 2048>}, {transform_indices = @transform_4, window_bounds = array<i64: 1, 1, 1, 2048>}, {transform_indices = @transform_5, window_bounds = array<i64: 1, 1, 1, 2048>}, {transform_indices = @transform_6, window_bounds = array<i64: 1, 96, 1>}, {transform_indices = @transform_7, window_bounds = array<i64: 1, 96, 1>}, {transform_indices = @transform_8, window_bounds = array<i64: 1, 1, 8>}]} {
    %get3A = arith.constant 0 : index
    %get3A_0 = arith.constant 0 : index
    %get3A_1 = arith.constant 0 : index
    %get3A_2 = vector.load %arg5[%get3A, %get3A_0, %get3A_1] : memref<1x96x2048xf32, #tpu.memory_space<vmem>>, vector<1x96x2048xf32>
    %get3A_3 = vector.shape_cast %get3A_2 : vector<1x96x2048xf32> to vector<96x2048xf32>
    %get3A_4 = arith.constant 0 : index
    %get3A_5 = arith.constant 0 : index
    %get3A_6 = arith.constant 0 : index
    %get3A_7 = vector.load %arg3[%get3A_4, %get3A_5, %get3A_6] : memref<1x96x1xf32, #tpu.memory_space<vmem>>, vector<1x96x1xf32>
    %get3A_8 = vector.shape_cast %get3A_7 : vector<1x96x1xf32> to vector<96x1xf32>
    %get3A_9 = arith.constant 0 : index
    %get3A_10 = arith.constant 0 : index
    %get3A_11 = arith.constant 0 : index
    %get3A_12 = vector.load %arg4[%get3A_9, %get3A_10, %get3A_11] : memref<1x96x1xf32, #tpu.memory_space<vmem>>, vector<1x96x1xf32>
    %get3A_13 = vector.shape_cast %get3A_12 : vector<1x96x1xf32> to vector<96x1xf32>
    %get3A_14 = arith.constant 0 : index
    %get3A_15 = memref.load %arg2[%get3A_14] : memref<2xf32, #tpu.memory_space<smem>>
    %get3A_16 = arith.constant 1 : index
    %get3A_17 = memref.load %arg2[%get3A_16] : memref<2xf32, #tpu.memory_space<smem>>
    %mul3A = arith.mulf %get3A_3, %get3A_3 : vector<96x2048xf32>
    %reduce_sum3A = arith.constant dense<0.000000e+00> : vector<2048xf32>
    %reduce_sum3A_18 = vector.multi_reduction <add>, %mul3A, %reduce_sum3A [0] : vector<96x2048xf32> to vector<2048xf32>
    %broadcast_in_dim3A = vector.shape_cast %reduce_sum3A_18 : vector<2048xf32> to vector<1x2048xf32>
    %sqrt3A = math.sqrt %broadcast_in_dim3A : vector<1x2048xf32>
    %max3A = arith.constant 9.99999993E-9 : f32
    %max3A_19 = vector.broadcast %max3A : f32 to vector<1x2048xf32>
    %max3A_20 = arith.maximumf %sqrt3A, %max3A_19 : vector<1x2048xf32>
    %mul3A_21 = arith.mulf %get3A_8, %get3A_8 : vector<96x1xf32>
    %reduce_sum3A_22 = vector.shape_cast %mul3A_21 : vector<96x1xf32> to vector<1x96x1xf32>
    %reduce_sum3A_23 = arith.constant dense<0.000000e+00> : vector<1xf32>
    %reduce_sum3A_24 = vector.multi_reduction <add>, %reduce_sum3A_22, %reduce_sum3A_23 [1, 2] : vector<1x96x1xf32> to vector<1xf32>
    %reduce_sum3A_25 = vector.shape_cast %reduce_sum3A_24 : vector<1xf32> to vector<1x1x1xf32>
    %reduce_sum3A_26 = vector.extract %reduce_sum3A_25[0, 0, 0] : f32 from vector<1x1x1xf32>
    %sqrt3A_27 = math.sqrt %reduce_sum3A_26 : f32
    %max3A_28 = arith.constant 9.99999993E-9 : f32
    %max3A_29 = arith.maximumf %sqrt3A_27, %max3A_28 : f32
    %mul3A_30 = arith.mulf %get3A_13, %get3A_13 : vector<96x1xf32>
    %reduce_sum3A_31 = vector.shape_cast %mul3A_30 : vector<96x1xf32> to vector<1x96x1xf32>
    %reduce_sum3A_32 = arith.constant dense<0.000000e+00> : vector<1xf32>
    %reduce_sum3A_33 = vector.multi_reduction <add>, %reduce_sum3A_31, %reduce_sum3A_32 [1, 2] : vector<1x96x1xf32> to vector<1xf32>
    %reduce_sum3A_34 = vector.shape_cast %reduce_sum3A_33 : vector<1xf32> to vector<1x1x1xf32>
    %reduce_sum3A_35 = vector.extract %reduce_sum3A_34[0, 0, 0] : f32 from vector<1x1x1xf32>
    %sqrt3A_36 = math.sqrt %reduce_sum3A_35 : f32
    %max3A_37 = arith.constant 9.99999993E-9 : f32
    %max3A_38 = arith.maximumf %sqrt3A_36, %max3A_37 : f32
    %mul3A_39 = vector.broadcast %get3A_8 : vector<96x1xf32> to vector<96x2048xf32>
    %mul3A_40 = arith.mulf %get3A_3, %mul3A_39 : vector<96x2048xf32>
    %reduce_sum3A_41 = arith.constant dense<0.000000e+00> : vector<2048xf32>
    %reduce_sum3A_42 = vector.multi_reduction <add>, %mul3A_40, %reduce_sum3A_41 [0] : vector<96x2048xf32> to vector<2048xf32>
    %broadcast_in_dim3A_43 = vector.shape_cast %reduce_sum3A_42 : vector<2048xf32> to vector<1x2048xf32>
    %mul3A_44 = vector.broadcast %max3A_29 : f32 to vector<1x2048xf32>
    %mul3A_45 = arith.mulf %max3A_20, %mul3A_44 : vector<1x2048xf32>
    %div3A = arith.divf %broadcast_in_dim3A_43, %mul3A_45 : vector<1x2048xf32>
    %mul3A_46 = vector.broadcast %get3A_13 : vector<96x1xf32> to vector<96x2048xf32>
    %mul3A_47 = arith.mulf %get3A_3, %mul3A_46 : vector<96x2048xf32>
    %reduce_sum3A_48 = arith.constant dense<0.000000e+00> : vector<2048xf32>
    %reduce_sum3A_49 = vector.multi_reduction <add>, %mul3A_47, %reduce_sum3A_48 [0] : vector<96x2048xf32> to vector<2048xf32>
    %broadcast_in_dim3A_50 = vector.shape_cast %reduce_sum3A_49 : vector<2048xf32> to vector<1x2048xf32>
    %mul3A_51 = vector.broadcast %max3A_38 : f32 to vector<1x2048xf32>
    %mul3A_52 = arith.mulf %max3A_20, %mul3A_51 : vector<1x2048xf32>
    %div3A_53 = arith.divf %broadcast_in_dim3A_50, %mul3A_52 : vector<1x2048xf32>
    %sub3A = arith.subf %div3A, %div3A_53 : vector<1x2048xf32>
    %mul3A_54 = arith.constant 1.000000e+01 : f32
    %mul3A_55 = vector.broadcast %mul3A_54 : f32 to vector<1x2048xf32>
    %mul3A_56 = arith.mulf %mul3A_55, %sub3A : vector<1x2048xf32>
    %neg3A = arith.constant 0.000000e+00 : f32
    %neg3A_57 = vector.broadcast %neg3A : f32 to vector<1x2048xf32>
    %neg3A_58 = arith.subf %neg3A_57, %mul3A_56 : vector<1x2048xf32>
    %exp3A = math.exp %neg3A_58 : vector<1x2048xf32>
    %add3A = arith.constant 1.000000e+00 : f32
    %add3A_59 = vector.broadcast %add3A : f32 to vector<1x2048xf32>
    %add3A_60 = arith.addf %add3A_59, %exp3A : vector<1x2048xf32>
    %div3A_61 = arith.constant 1.000000e+00 : f32
    %div3A_62 = vector.broadcast %div3A_61 : f32 to vector<1x2048xf32>
    %div3A_63 = arith.divf %div3A_62, %add3A_60 : vector<1x2048xf32>
    %exp3A_64 = math.exp %mul3A_56 : vector<1x2048xf32>
    %add3A_65 = arith.constant 1.000000e+00 : f32
    %add3A_66 = vector.broadcast %add3A_65 : f32 to vector<1x2048xf32>
    %add3A_67 = arith.addf %add3A_66, %exp3A_64 : vector<1x2048xf32>
    %div3A_68 = arith.constant 1.000000e+00 : f32
    %div3A_69 = vector.broadcast %div3A_68 : f32 to vector<1x2048xf32>
    %div3A_70 = arith.divf %div3A_69, %add3A_67 : vector<1x2048xf32>
    %swap3A = arith.constant 0 : index
    %swap3A_71 = arith.constant 0 : index
    %swap3A_72 = arith.constant 0 : index
    %swap3A_73 = arith.constant 0 : index
    %swap3A_74 = vector.load %arg6[%swap3A, %swap3A_71, %swap3A_72, %swap3A_73] : memref<1x1x1x2048xf32, #tpu.memory_space<vmem>>, vector<1x1x1x2048xf32>
    %swap3A_75 = vector.shape_cast %swap3A_74 : vector<1x1x1x2048xf32> to vector<1x2048xf32>
    %swap3A_76 = vector.shape_cast %div3A_63 : vector<1x2048xf32> to vector<1x1x1x2048xf32>
    tpu.vector_store %arg6[%swap3A, %swap3A_71, %swap3A_72, %swap3A_73], %swap3A_76 {strides = array<i32>} : memref<1x1x1x2048xf32, #tpu.memory_space<vmem>>, vector<1x1x1x2048xf32>,
    %swap3A_77 = arith.constant 0 : index
    %swap3A_78 = arith.constant 0 : index
    %swap3A_79 = arith.constant 0 : index
    %swap3A_80 = arith.constant 0 : index
    %swap3A_81 = vector.load %arg7[%swap3A_77, %swap3A_78, %swap3A_79, %swap3A_80] : memref<1x1x1x2048xf32, #tpu.memory_space<vmem>>, vector<1x1x1x2048xf32>
    %swap3A_82 = vector.shape_cast %swap3A_81 : vector<1x1x1x2048xf32> to vector<1x2048xf32>
    %swap3A_83 = vector.shape_cast %div3A_70 : vector<1x2048xf32> to vector<1x1x1x2048xf32>
    tpu.vector_store %arg7[%swap3A_77, %swap3A_78, %swap3A_79, %swap3A_80], %swap3A_83 {strides = array<i32>} : memref<1x1x1x2048xf32, #tpu.memory_space<vmem>>, vector<1x1x1x2048xf32>,
    %gt3A = vector.broadcast %get3A_15 : f32 to vector<1x2048xf32>
    %gt3A_84 = arith.cmpf ogt, %div3A_63, %gt3A : vector<1x2048xf32>
    %convert_element_type3A = arith.extui %gt3A_84 : vector<1x2048xi1> to vector<1x2048xi32>
    %convert_element_type3A_85 = arith.sitofp %convert_element_type3A : vector<1x2048xi32> to vector<1x2048xf32>
    %gt3A_86 = vector.broadcast %get3A_17 : f32 to vector<1x2048xf32>
    %gt3A_87 = arith.cmpf ogt, %div3A_70, %gt3A_86 : vector<1x2048xf32>
    %convert_element_type3A_88 = arith.extui %gt3A_87 : vector<1x2048xi1> to vector<1x2048xi32>
    %convert_element_type3A_89 = arith.sitofp %convert_element_type3A_88 : vector<1x2048xi32> to vector<1x2048xf32>
    %mul3A_90 = vector.broadcast %convert_element_type3A_85 : vector<1x2048xf32> to vector<96x2048xf32>
    %mul3A_91 = arith.mulf %get3A_3, %mul3A_90 : vector<96x2048xf32>
    %reduce_sum3A_92 = arith.constant dense<0.000000e+00> : vector<96xf32>
    %reduce_sum3A_93 = vector.multi_reduction <add>, %mul3A_91, %reduce_sum3A_92 [1] : vector<96x2048xf32> to vector<96xf32>
    %broadcast_in_dim3A_94 = vector.shape_cast %reduce_sum3A_93 : vector<96xf32> to vector<96x1xf32>
    %broadcast_in_dim3A_95 = vector.shape_cast %broadcast_in_dim3A_94 : vector<96x1xf32> to vector<1x96x1xf32>
    %mul3A_96 = vector.broadcast %convert_element_type3A_89 : vector<1x2048xf32> to vector<96x2048xf32>
    %mul3A_97 = arith.mulf %get3A_3, %mul3A_96 : vector<96x2048xf32>
    %reduce_sum3A_98 = arith.constant dense<0.000000e+00> : vector<96xf32>
    %reduce_sum3A_99 = vector.multi_reduction <add>, %mul3A_97, %reduce_sum3A_98 [1] : vector<96x2048xf32> to vector<96xf32>
    %broadcast_in_dim3A_100 = vector.shape_cast %reduce_sum3A_99 : vector<96xf32> to vector<96x1xf32>
    %broadcast_in_dim3A_101 = vector.shape_cast %broadcast_in_dim3A_100 : vector<96x1xf32> to vector<1x96x1xf32>
    %iota3A = tpu.iota {dimensions = array<i32: 2>} : vector<1x1x8xi32>
    %eq3A = arith.constant 0 : i32
    %eq3A_102 = vector.broadcast %eq3A : i32 to vector<1x1x8xi32>
    %eq3A_103 = arith.cmpi eq, %iota3A, %eq3A_102 : vector<1x1x8xi32>
    %reduce_sum3A_104 = vector.shape_cast %convert_element_type3A_85 : vector<1x2048xf32> to vector<1x1x2048xf32>
    %reduce_sum3A_105 = arith.constant dense<0.000000e+00> : vector<1xf32>
    %reduce_sum3A_106 = vector.multi_reduction <add>, %reduce_sum3A_104, %reduce_sum3A_105 [1, 2] : vector<1x1x2048xf32> to vector<1xf32>
    %reduce_sum3A_107 = vector.shape_cast %reduce_sum3A_106 : vector<1xf32> to vector<1x1x1xf32>
    %reduce_sum3A_108 = vector.extract %reduce_sum3A_107[0, 0, 0] : f32 from vector<1x1x1xf32>
    %eq3A_109 = arith.constant 1 : i32
    %eq3A_110 = vector.broadcast %eq3A_109 : i32 to vector<1x1x8xi32>
    %eq3A_111 = arith.cmpi eq, %iota3A, %eq3A_110 : vector<1x1x8xi32>
    %reduce_sum3A_112 = vector.shape_cast %convert_element_type3A_89 : vector<1x2048xf32> to vector<1x1x2048xf32>
    %reduce_sum3A_113 = arith.constant dense<0.000000e+00> : vector<1xf32>
    %reduce_sum3A_114 = vector.multi_reduction <add>, %reduce_sum3A_112, %reduce_sum3A_113 [1, 2] : vector<1x1x2048xf32> to vector<1xf32>
    %reduce_sum3A_115 = vector.shape_cast %reduce_sum3A_114 : vector<1xf32> to vector<1x1x1xf32>
    %reduce_sum3A_116 = vector.extract %reduce_sum3A_115[0, 0, 0] : f32 from vector<1x1x1xf32>
    %jit3A = arith.constant 0.000000e+00 : f32
    %broadcast_in_dim3A_117 = vector.broadcast %reduce_sum3A_116 : f32 to vector<1x1x8xf32>
    %broadcast_in_dim3A_118 = vector.broadcast %jit3A : f32 to vector<1x1x8xf32>
    %select_n3A = arith.select %eq3A_111, %broadcast_in_dim3A_117, %broadcast_in_dim3A_118 : vector<1x1x8xi1>, vector<1x1x8xf32>
    %broadcast_in_dim3A_119 = vector.broadcast %reduce_sum3A_108 : f32 to vector<1x1x8xf32>
    %select_n3A_120 = arith.select %eq3A_103, %broadcast_in_dim3A_119, %select_n3A : vector<1x1x8xi1>, vector<1x1x8xf32>
    %eq3A_121 = arith.constant 0 : i32
    %eq3A_122 = arith.cmpi eq, %arg1, %eq3A_121 : i32
    %convert_element_type3A_123 = arith.extui %eq3A_122 : i1 to i32
    %cond3A = arith.constant 0 : i32
    %cond3A_124 = arith.cmpi ne, %convert_element_type3A_123, %cond3A : i32
    scf.if %cond3A_124 {
      %swap3A_129 = arith.constant 0 : index
      %swap3A_130 = arith.constant 0 : index
      %swap3A_131 = arith.constant 0 : index
      %swap3A_132 = vector.load %arg8[%swap3A_129, %swap3A_130, %swap3A_131] : memref<1x96x1xf32, #tpu.memory_space<vmem>>, vector<1x96x1xf32>
      tpu.vector_store %arg8[%swap3A_129, %swap3A_130, %swap3A_131], %broadcast_in_dim3A_95 {strides = array<i32>} : memref<1x96x1xf32, #tpu.memory_space<vmem>>, vector<1x96x1xf32>,
      %swap3A_133 = arith.constant 0 : index
      %swap3A_134 = arith.constant 0 : index
      %swap3A_135 = arith.constant 0 : index
      %swap3A_136 = vector.load %arg9[%swap3A_133, %swap3A_134, %swap3A_135] : memref<1x96x1xf32, #tpu.memory_space<vmem>>, vector<1x96x1xf32>
      tpu.vector_store %arg9[%swap3A_133, %swap3A_134, %swap3A_135], %broadcast_in_dim3A_101 {strides = array<i32>} : memref<1x96x1xf32, #tpu.memory_space<vmem>>, vector<1x96x1xf32>,
      %swap3A_137 = arith.constant 0 : index
      %swap3A_138 = arith.constant 0 : index
      %swap3A_139 = arith.constant 0 : index
      %swap3A_140 = vector.load %arg10[%swap3A_137, %swap3A_138, %swap3A_139] : memref<1x1x8xf32, #tpu.memory_space<vmem>>, vector<1x1x8xf32>
      tpu.vector_store %arg10[%swap3A_137, %swap3A_138, %swap3A_139], %select_n3A_120 {strides = array<i32>} : memref<1x1x8xf32, #tpu.memory_space<vmem>>, vector<1x1x8xf32>,
    } else {
    }
    %ne3A = arith.constant 0 : i32
    %ne3A_125 = arith.cmpi ne, %arg1, %ne3A : i32
    %convert_element_type3A_126 = arith.extui %ne3A_125 : i1 to i32
    %cond3A_127 = arith.constant 0 : i32
    %cond3A_128 = arith.cmpi ne, %convert_element_type3A_126, %cond3A_127 : i32
    scf.if %cond3A_128 {
      %get3A_129 = arith.constant 0 : index
      %get3A_130 = arith.constant 0 : index
      %get3A_131 = arith.constant 0 : index
      %get3A_132 = vector.load %arg8[%get3A_129, %get3A_130, %get3A_131] : memref<1x96x1xf32, #tpu.memory_space<vmem>>, vector<1x96x1xf32>
      %add3A_133 = arith.addf %get3A_132, %broadcast_in_dim3A_95 : vector<1x96x1xf32>
      %swap3A_134 = arith.constant 0 : index
      %swap3A_135 = arith.constant 0 : index
      %swap3A_136 = arith.constant 0 : index
      %swap3A_137 = vector.load %arg8[%swap3A_134, %swap3A_135, %swap3A_136] : memref<1x96x1xf32, #tpu.memory_space<vmem>>, vector<1x96x1xf32>
      tpu.vector_store %arg8[%swap3A_134, %swap3A_135, %swap3A_136], %add3A_133 {strides = array<i32>} : memref<1x96x1xf32, #tpu.memory_space<vmem>>, vector<1x96x1xf32>,
      %get3A_138 = arith.constant 0 : index
      %get3A_139 = arith.constant 0 : index
      %get3A_140 = arith.constant 0 : index
      %get3A_141 = vector.load %arg9[%get3A_138, %get3A_139, %get3A_140] : memref<1x96x1xf32, #tpu.memory_space<vmem>>, vector<1x96x1xf32>
      %add3A_142 = arith.addf %get3A_141, %broadcast_in_dim3A_101 : vector<1x96x1xf32>
      %swap3A_143 = arith.constant 0 : index
      %swap3A_144 = arith.constant 0 : index
      %swap3A_145 = arith.constant 0 : index
      %swap3A_146 = vector.load %arg9[%swap3A_143, %swap3A_144, %swap3A_145] : memref<1x96x1xf32, #tpu.memory_space<vmem>>, vector<1x96x1xf32>
      tpu.vector_store %arg9[%swap3A_143, %swap3A_144, %swap3A_145], %add3A_142 {strides = array<i32>} : memref<1x96x1xf32, #tpu.memory_space<vmem>>, vector<1x96x1xf32>,
      %get3A_147 = arith.constant 0 : index
      %get3A_148 = arith.constant 0 : index
      %get3A_149 = arith.constant 0 : index
      %get3A_150 = vector.load %arg10[%get3A_147, %get3A_148, %get3A_149] : memref<1x1x8xf32, #tpu.memory_space<vmem>>, vector<1x1x8xf32>
      %add3A_151 = arith.addf %get3A_150, %select_n3A_120 : vector<1x1x8xf32>
      %swap3A_152 = arith.constant 0 : index
      %swap3A_153 = arith.constant 0 : index
      %swap3A_154 = arith.constant 0 : index
      %swap3A_155 = vector.load %arg10[%swap3A_152, %swap3A_153, %swap3A_154] : memref<1x1x8xf32, #tpu.memory_space<vmem>>, vector<1x1x8xf32>
      tpu.vector_store %arg10[%swap3A_152, %swap3A_153, %swap3A_154], %add3A_151 {strides = array<i32>} : memref<1x1x8xf32, #tpu.memory_space<vmem>>, vector<1x1x8xf32>,
    } else {
    }
    return
  }
  func.func @transform_0(%arg0: i32, %arg1: i32) -> i32 {
    %c0_i32 = arith.constant 0 : i32
    %c0_i32_0 = arith.constant 0 : i32
    return %c0_i32 : i32
  }
  func.func @transform_1(%arg0: i32, %arg1: i32) -> (i32, i32, i32) {
    %c0_i32 = arith.constant 0 : i32
    %c0_i32_0 = arith.constant 0 : i32
    %c0_i32_1 = arith.constant 0 : i32
    return %arg0, %c0_i32, %c0_i32_0 : i32, i32, i32
  }
  func.func @transform_2(%arg0: i32, %arg1: i32) -> (i32, i32, i32) {
    %c0_i32 = arith.constant 0 : i32
    %c0_i32_0 = arith.constant 0 : i32
    %c0_i32_1 = arith.constant 0 : i32
    return %arg0, %c0_i32, %c0_i32_0 : i32, i32, i32
  }
  func.func @transform_3(%arg0: i32, %arg1: i32) -> (i32, i32, i32) {
    %c0_i32 = arith.constant 0 : i32
    %c0_i32_0 = arith.constant 0 : i32
    return %arg0, %c0_i32, %arg1 : i32, i32, i32
  }
  func.func @transform_4(%arg0: i32, %arg1: i32) -> (i32, i32, i32, i32) {
    %c0_i32 = arith.constant 0 : i32
    %c0_i32_0 = arith.constant 0 : i32
    %c0_i32_1 = arith.constant 0 : i32
    return %arg0, %arg1, %c0_i32, %c0_i32_0 : i32, i32, i32, i32
  }
  func.func @transform_5(%arg0: i32, %arg1: i32) -> (i32, i32, i32, i32) {
    %c0_i32 = arith.constant 0 : i32
    %c0_i32_0 = arith.constant 0 : i32
    %c0_i32_1 = arith.constant 0 : i32
    return %arg0, %arg1, %c0_i32, %c0_i32_0 : i32, i32, i32, i32
  }
  func.func @transform_6(%arg0: i32, %arg1: i32) -> (i32, i32, i32) {
    %c0_i32 = arith.constant 0 : i32
    %c0_i32_0 = arith.constant 0 : i32
    %c0_i32_1 = arith.constant 0 : i32
    return %arg0, %c0_i32, %c0_i32_0 : i32, i32, i32
  }
  func.func @transform_7(%arg0: i32, %arg1: i32) -> (i32, i32, i32) {
    %c0_i32 = arith.constant 0 : i32
    %c0_i32_0 = arith.constant 0 : i32
    %c0_i32_1 = arith.constant 0 : i32
    return %arg0, %c0_i32, %c0_i32_0 : i32, i32, i32
  }
  func.func @transform_8(%arg0: i32, %arg1: i32) -> (i32, i32, i32) {
    %c0_i32 = arith.constant 0 : i32
    %c0_i32_0 = arith.constant 0 : i32
    %c0_i32_1 = arith.constant 0 : i32
    return %arg0, %c0_i32, %c0_i32_0 : i32, i32, i32
  }
}

module attributes {stable_mosaic.version = 14 : i64} {
  func.func @_tk1_body(%arg0: i32, %arg1: memref<1x1x16384xf32, #tpu.memory_space<vmem>>, %arg2: memref<1x1x16384xf32, #tpu.memory_space<vmem>>, %arg3: memref<1x1x16384xf32, #tpu.memory_space<vmem>>, %arg4: memref<1x1x16384xf32, #tpu.memory_space<vmem>>) attributes {dimension_semantics = [#tpu.dimension_semantics<arbitrary>], iteration_bounds = array<i64: 8>, scalar_prefetch = 0 : i64, scratch_operands = 0 : i64, tpu.core_type = #tpu.core_type<tc>, window_params = [{transform_indices = @transform_0, window_bounds = array<i64: 1, 1, 16384>}, {transform_indices = @transform_1, window_bounds = array<i64: 1, 1, 16384>}, {transform_indices = @transform_2, window_bounds = array<i64: 1, 1, 16384>}, {transform_indices = @transform_3, window_bounds = array<i64: 1, 1, 16384>}]} {
    %iota3A = tpu.iota {dimensions = array<i32: 1>} : vector<1x16384xi32>
    %get3A = arith.constant 0 : index
    %get3A_0 = arith.constant 0 : index
    %get3A_1 = arith.constant 0 : index
    %get3A_2 = vector.load %arg1[%get3A, %get3A_0, %get3A_1] : memref<1x1x16384xf32, #tpu.memory_space<vmem>>, vector<1x1x16384xf32>
    %get3A_3 = vector.shape_cast %get3A_2 : vector<1x1x16384xf32> to vector<1x16384xf32>
    %broadcast_in_dim3A = arith.constant 0.000000e+00 : f32
    %broadcast_in_dim3A_4 = vector.broadcast %broadcast_in_dim3A : f32 to vector<1x16384xf32>
    %reduce_max3A = vector.shape_cast %get3A_3 : vector<1x16384xf32> to vector<1x1x16384xf32>
    %reduce_max3A_5 = arith.constant dense<0xFF800000> : vector<1xf32>
    %reduce_max3A_6 = vector.multi_reduction <maximumf>, %reduce_max3A, %reduce_max3A_5 [1, 2] : vector<1x1x16384xf32> to vector<1xf32>
    %reduce_max3A_7 = vector.shape_cast %reduce_max3A_6 : vector<1xf32> to vector<1x1x1xf32>
    %reduce_max3A_8 = vector.extract %reduce_max3A_7[0, 0, 0] : f32 from vector<1x1x1xf32>
    %eq3A = vector.broadcast %reduce_max3A_8 : f32 to vector<1x16384xf32>
    %eq3A_9 = arith.cmpf oeq, %get3A_3, %eq3A : vector<1x16384xf32>
    %jit3A = arith.constant 16384 : i32
    %broadcast_in_dim3A_10 = vector.broadcast %jit3A : i32 to vector<1x16384xi32>
    %select_n3A = arith.select %eq3A_9, %iota3A, %broadcast_in_dim3A_10 : vector<1x16384xi1>, vector<1x16384xi32>
    %reduce_min3A = vector.shape_cast %select_n3A : vector<1x16384xi32> to vector<1x1x16384xi32>
    %reduce_min3A_11 = arith.constant dense<2147483647> : vector<1xi32>
    %reduce_min3A_12 = vector.multi_reduction <minsi>, %reduce_min3A, %reduce_min3A_11 [1, 2] : vector<1x1x16384xi32> to vector<1xi32>
    %reduce_min3A_13 = vector.shape_cast %reduce_min3A_12 : vector<1xi32> to vector<1x1x1xi32>
    %reduce_min3A_14 = vector.extract %reduce_min3A_13[0, 0, 0] : i32 from vector<1x1x1xi32>
    %eq3A_15 = vector.broadcast %reduce_min3A_14 : i32 to vector<1x16384xi32>
    %eq3A_16 = arith.cmpi eq, %iota3A, %eq3A_15 : vector<1x16384xi32>
    %convert_element_type3A = arith.extui %eq3A_16 : vector<1x16384xi1> to vector<1x16384xi32>
    %convert_element_type3A_17 = arith.sitofp %convert_element_type3A : vector<1x16384xi32> to vector<1x16384xf32>
    %add3A = arith.addf %broadcast_in_dim3A_4, %convert_element_type3A_17 : vector<1x16384xf32>
    %jit3A_18 = arith.constant 0xFF800000 : f32
    %broadcast_in_dim3A_19 = vector.broadcast %jit3A_18 : f32 to vector<1x16384xf32>
    %select_n3A_20 = arith.select %eq3A_16, %broadcast_in_dim3A_19, %get3A_3 : vector<1x16384xi1>, vector<1x16384xf32>
    %reduce_max3A_21 = vector.shape_cast %select_n3A_20 : vector<1x16384xf32> to vector<1x1x16384xf32>
    %reduce_max3A_22 = arith.constant dense<0xFF800000> : vector<1xf32>
    %reduce_max3A_23 = vector.multi_reduction <maximumf>, %reduce_max3A_21, %reduce_max3A_22 [1, 2] : vector<1x1x16384xf32> to vector<1xf32>
    %reduce_max3A_24 = vector.shape_cast %reduce_max3A_23 : vector<1xf32> to vector<1x1x1xf32>
    %reduce_max3A_25 = vector.extract %reduce_max3A_24[0, 0, 0] : f32 from vector<1x1x1xf32>
    %eq3A_26 = vector.broadcast %reduce_max3A_25 : f32 to vector<1x16384xf32>
    %eq3A_27 = arith.cmpf oeq, %select_n3A_20, %eq3A_26 : vector<1x16384xf32>
    %jit3A_28 = arith.constant 16384 : i32
    %broadcast_in_dim3A_29 = vector.broadcast %jit3A_28 : i32 to vector<1x16384xi32>
    %select_n3A_30 = arith.select %eq3A_27, %iota3A, %broadcast_in_dim3A_29 : vector<1x16384xi1>, vector<1x16384xi32>
    %reduce_min3A_31 = vector.shape_cast %select_n3A_30 : vector<1x16384xi32> to vector<1x1x16384xi32>
    %reduce_min3A_32 = arith.constant dense<2147483647> : vector<1xi32>
    %reduce_min3A_33 = vector.multi_reduction <minsi>, %reduce_min3A_31, %reduce_min3A_32 [1, 2] : vector<1x1x16384xi32> to vector<1xi32>
    %reduce_min3A_34 = vector.shape_cast %reduce_min3A_33 : vector<1xi32> to vector<1x1x1xi32>
    %reduce_min3A_35 = vector.extract %reduce_min3A_34[0, 0, 0] : i32 from vector<1x1x1xi32>
    %eq3A_36 = vector.broadcast %reduce_min3A_35 : i32 to vector<1x16384xi32>
    %eq3A_37 = arith.cmpi eq, %iota3A, %eq3A_36 : vector<1x16384xi32>
    %convert_element_type3A_38 = arith.extui %eq3A_37 : vector<1x16384xi1> to vector<1x16384xi32>
    %convert_element_type3A_39 = arith.sitofp %convert_element_type3A_38 : vector<1x16384xi32> to vector<1x16384xf32>
    %add3A_40 = arith.addf %add3A, %convert_element_type3A_39 : vector<1x16384xf32>
    %jit3A_41 = arith.constant 0xFF800000 : f32
    %broadcast_in_dim3A_42 = vector.broadcast %jit3A_41 : f32 to vector<1x16384xf32>
    %select_n3A_43 = arith.select %eq3A_37, %broadcast_in_dim3A_42, %select_n3A_20 : vector<1x16384xi1>, vector<1x16384xf32>
    %reduce_max3A_44 = vector.shape_cast %select_n3A_43 : vector<1x16384xf32> to vector<1x1x16384xf32>
    %reduce_max3A_45 = arith.constant dense<0xFF800000> : vector<1xf32>
    %reduce_max3A_46 = vector.multi_reduction <maximumf>, %reduce_max3A_44, %reduce_max3A_45 [1, 2] : vector<1x1x16384xf32> to vector<1xf32>
    %reduce_max3A_47 = vector.shape_cast %reduce_max3A_46 : vector<1xf32> to vector<1x1x1xf32>
    %reduce_max3A_48 = vector.extract %reduce_max3A_47[0, 0, 0] : f32 from vector<1x1x1xf32>
    %eq3A_49 = vector.broadcast %reduce_max3A_48 : f32 to vector<1x16384xf32>
    %eq3A_50 = arith.cmpf oeq, %select_n3A_43, %eq3A_49 : vector<1x16384xf32>
    %jit3A_51 = arith.constant 16384 : i32
    %broadcast_in_dim3A_52 = vector.broadcast %jit3A_51 : i32 to vector<1x16384xi32>
    %select_n3A_53 = arith.select %eq3A_50, %iota3A, %broadcast_in_dim3A_52 : vector<1x16384xi1>, vector<1x16384xi32>
    %reduce_min3A_54 = vector.shape_cast %select_n3A_53 : vector<1x16384xi32> to vector<1x1x16384xi32>
    %reduce_min3A_55 = arith.constant dense<2147483647> : vector<1xi32>
    %reduce_min3A_56 = vector.multi_reduction <minsi>, %reduce_min3A_54, %reduce_min3A_55 [1, 2] : vector<1x1x16384xi32> to vector<1xi32>
    %reduce_min3A_57 = vector.shape_cast %reduce_min3A_56 : vector<1xi32> to vector<1x1x1xi32>
    %reduce_min3A_58 = vector.extract %reduce_min3A_57[0, 0, 0] : i32 from vector<1x1x1xi32>
    %eq3A_59 = vector.broadcast %reduce_min3A_58 : i32 to vector<1x16384xi32>
    %eq3A_60 = arith.cmpi eq, %iota3A, %eq3A_59 : vector<1x16384xi32>
    %convert_element_type3A_61 = arith.extui %eq3A_60 : vector<1x16384xi1> to vector<1x16384xi32>
    %convert_element_type3A_62 = arith.sitofp %convert_element_type3A_61 : vector<1x16384xi32> to vector<1x16384xf32>
    %add3A_63 = arith.addf %add3A_40, %convert_element_type3A_62 : vector<1x16384xf32>
    %jit3A_64 = arith.constant 0xFF800000 : f32
    %broadcast_in_dim3A_65 = vector.broadcast %jit3A_64 : f32 to vector<1x16384xf32>
    %select_n3A_66 = arith.select %eq3A_60, %broadcast_in_dim3A_65, %select_n3A_43 : vector<1x16384xi1>, vector<1x16384xf32>
    %reduce_max3A_67 = vector.shape_cast %select_n3A_66 : vector<1x16384xf32> to vector<1x1x16384xf32>
    %reduce_max3A_68 = arith.constant dense<0xFF800000> : vector<1xf32>
    %reduce_max3A_69 = vector.multi_reduction <maximumf>, %reduce_max3A_67, %reduce_max3A_68 [1, 2] : vector<1x1x16384xf32> to vector<1xf32>
    %reduce_max3A_70 = vector.shape_cast %reduce_max3A_69 : vector<1xf32> to vector<1x1x1xf32>
    %reduce_max3A_71 = vector.extract %reduce_max3A_70[0, 0, 0] : f32 from vector<1x1x1xf32>
    %eq3A_72 = vector.broadcast %reduce_max3A_71 : f32 to vector<1x16384xf32>
    %eq3A_73 = arith.cmpf oeq, %select_n3A_66, %eq3A_72 : vector<1x16384xf32>
    %jit3A_74 = arith.constant 16384 : i32
    %broadcast_in_dim3A_75 = vector.broadcast %jit3A_74 : i32 to vector<1x16384xi32>
    %select_n3A_76 = arith.select %eq3A_73, %iota3A, %broadcast_in_dim3A_75 : vector<1x16384xi1>, vector<1x16384xi32>
    %reduce_min3A_77 = vector.shape_cast %select_n3A_76 : vector<1x16384xi32> to vector<1x1x16384xi32>
    %reduce_min3A_78 = arith.constant dense<2147483647> : vector<1xi32>
    %reduce_min3A_79 = vector.multi_reduction <minsi>, %reduce_min3A_77, %reduce_min3A_78 [1, 2] : vector<1x1x16384xi32> to vector<1xi32>
    %reduce_min3A_80 = vector.shape_cast %reduce_min3A_79 : vector<1xi32> to vector<1x1x1xi32>
    %reduce_min3A_81 = vector.extract %reduce_min3A_80[0, 0, 0] : i32 from vector<1x1x1xi32>
    %eq3A_82 = vector.broadcast %reduce_min3A_81 : i32 to vector<1x16384xi32>
    %eq3A_83 = arith.cmpi eq, %iota3A, %eq3A_82 : vector<1x16384xi32>
    %convert_element_type3A_84 = arith.extui %eq3A_83 : vector<1x16384xi1> to vector<1x16384xi32>
    %convert_element_type3A_85 = arith.sitofp %convert_element_type3A_84 : vector<1x16384xi32> to vector<1x16384xf32>
    %add3A_86 = arith.addf %add3A_63, %convert_element_type3A_85 : vector<1x16384xf32>
    %jit3A_87 = arith.constant 0xFF800000 : f32
    %broadcast_in_dim3A_88 = vector.broadcast %jit3A_87 : f32 to vector<1x16384xf32>
    %select_n3A_89 = arith.select %eq3A_83, %broadcast_in_dim3A_88, %select_n3A_66 : vector<1x16384xi1>, vector<1x16384xf32>
    %reduce_max3A_90 = vector.shape_cast %select_n3A_89 : vector<1x16384xf32> to vector<1x1x16384xf32>
    %reduce_max3A_91 = arith.constant dense<0xFF800000> : vector<1xf32>
    %reduce_max3A_92 = vector.multi_reduction <maximumf>, %reduce_max3A_90, %reduce_max3A_91 [1, 2] : vector<1x1x16384xf32> to vector<1xf32>
    %reduce_max3A_93 = vector.shape_cast %reduce_max3A_92 : vector<1xf32> to vector<1x1x1xf32>
    %reduce_max3A_94 = vector.extract %reduce_max3A_93[0, 0, 0] : f32 from vector<1x1x1xf32>
    %eq3A_95 = vector.broadcast %reduce_max3A_94 : f32 to vector<1x16384xf32>
    %eq3A_96 = arith.cmpf oeq, %select_n3A_89, %eq3A_95 : vector<1x16384xf32>
    %jit3A_97 = arith.constant 16384 : i32
    %broadcast_in_dim3A_98 = vector.broadcast %jit3A_97 : i32 to vector<1x16384xi32>
    %select_n3A_99 = arith.select %eq3A_96, %iota3A, %broadcast_in_dim3A_98 : vector<1x16384xi1>, vector<1x16384xi32>
    %reduce_min3A_100 = vector.shape_cast %select_n3A_99 : vector<1x16384xi32> to vector<1x1x16384xi32>
    %reduce_min3A_101 = arith.constant dense<2147483647> : vector<1xi32>
    %reduce_min3A_102 = vector.multi_reduction <minsi>, %reduce_min3A_100, %reduce_min3A_101 [1, 2] : vector<1x1x16384xi32> to vector<1xi32>
    %reduce_min3A_103 = vector.shape_cast %reduce_min3A_102 : vector<1xi32> to vector<1x1x1xi32>
    %reduce_min3A_104 = vector.extract %reduce_min3A_103[0, 0, 0] : i32 from vector<1x1x1xi32>
    %eq3A_105 = vector.broadcast %reduce_min3A_104 : i32 to vector<1x16384xi32>
    %eq3A_106 = arith.cmpi eq, %iota3A, %eq3A_105 : vector<1x16384xi32>
    %convert_element_type3A_107 = arith.extui %eq3A_106 : vector<1x16384xi1> to vector<1x16384xi32>
    %convert_element_type3A_108 = arith.sitofp %convert_element_type3A_107 : vector<1x16384xi32> to vector<1x16384xf32>
    %add3A_109 = arith.addf %add3A_86, %convert_element_type3A_108 : vector<1x16384xf32>
    %jit3A_110 = arith.constant 0xFF800000 : f32
    %broadcast_in_dim3A_111 = vector.broadcast %jit3A_110 : f32 to vector<1x16384xf32>
    %select_n3A_112 = arith.select %eq3A_106, %broadcast_in_dim3A_111, %select_n3A_89 : vector<1x16384xi1>, vector<1x16384xf32>
    %reduce_max3A_113 = vector.shape_cast %select_n3A_112 : vector<1x16384xf32> to vector<1x1x16384xf32>
    %reduce_max3A_114 = arith.constant dense<0xFF800000> : vector<1xf32>
    %reduce_max3A_115 = vector.multi_reduction <maximumf>, %reduce_max3A_113, %reduce_max3A_114 [1, 2] : vector<1x1x16384xf32> to vector<1xf32>
    %reduce_max3A_116 = vector.shape_cast %reduce_max3A_115 : vector<1xf32> to vector<1x1x1xf32>
    %reduce_max3A_117 = vector.extract %reduce_max3A_116[0, 0, 0] : f32 from vector<1x1x1xf32>
    %eq3A_118 = vector.broadcast %reduce_max3A_117 : f32 to vector<1x16384xf32>
    %eq3A_119 = arith.cmpf oeq, %select_n3A_112, %eq3A_118 : vector<1x16384xf32>
    %jit3A_120 = arith.constant 16384 : i32
    %broadcast_in_dim3A_121 = vector.broadcast %jit3A_120 : i32 to vector<1x16384xi32>
    %select_n3A_122 = arith.select %eq3A_119, %iota3A, %broadcast_in_dim3A_121 : vector<1x16384xi1>, vector<1x16384xi32>
    %reduce_min3A_123 = vector.shape_cast %select_n3A_122 : vector<1x16384xi32> to vector<1x1x16384xi32>
    %reduce_min3A_124 = arith.constant dense<2147483647> : vector<1xi32>
    %reduce_min3A_125 = vector.multi_reduction <minsi>, %reduce_min3A_123, %reduce_min3A_124 [1, 2] : vector<1x1x16384xi32> to vector<1xi32>
    %reduce_min3A_126 = vector.shape_cast %reduce_min3A_125 : vector<1xi32> to vector<1x1x1xi32>
    %reduce_min3A_127 = vector.extract %reduce_min3A_126[0, 0, 0] : i32 from vector<1x1x1xi32>
    %eq3A_128 = vector.broadcast %reduce_min3A_127 : i32 to vector<1x16384xi32>
    %eq3A_129 = arith.cmpi eq, %iota3A, %eq3A_128 : vector<1x16384xi32>
    %convert_element_type3A_130 = arith.extui %eq3A_129 : vector<1x16384xi1> to vector<1x16384xi32>
    %convert_element_type3A_131 = arith.sitofp %convert_element_type3A_130 : vector<1x16384xi32> to vector<1x16384xf32>
    %add3A_132 = arith.addf %add3A_109, %convert_element_type3A_131 : vector<1x16384xf32>
    %jit3A_133 = arith.constant 0xFF800000 : f32
    %broadcast_in_dim3A_134 = vector.broadcast %jit3A_133 : f32 to vector<1x16384xf32>
    %select_n3A_135 = arith.select %eq3A_129, %broadcast_in_dim3A_134, %select_n3A_112 : vector<1x16384xi1>, vector<1x16384xf32>
    %reduce_max3A_136 = vector.shape_cast %select_n3A_135 : vector<1x16384xf32> to vector<1x1x16384xf32>
    %reduce_max3A_137 = arith.constant dense<0xFF800000> : vector<1xf32>
    %reduce_max3A_138 = vector.multi_reduction <maximumf>, %reduce_max3A_136, %reduce_max3A_137 [1, 2] : vector<1x1x16384xf32> to vector<1xf32>
    %reduce_max3A_139 = vector.shape_cast %reduce_max3A_138 : vector<1xf32> to vector<1x1x1xf32>
    %reduce_max3A_140 = vector.extract %reduce_max3A_139[0, 0, 0] : f32 from vector<1x1x1xf32>
    %eq3A_141 = vector.broadcast %reduce_max3A_140 : f32 to vector<1x16384xf32>
    %eq3A_142 = arith.cmpf oeq, %select_n3A_135, %eq3A_141 : vector<1x16384xf32>
    %jit3A_143 = arith.constant 16384 : i32
    %broadcast_in_dim3A_144 = vector.broadcast %jit3A_143 : i32 to vector<1x16384xi32>
    %select_n3A_145 = arith.select %eq3A_142, %iota3A, %broadcast_in_dim3A_144 : vector<1x16384xi1>, vector<1x16384xi32>
    %reduce_min3A_146 = vector.shape_cast %select_n3A_145 : vector<1x16384xi32> to vector<1x1x16384xi32>
    %reduce_min3A_147 = arith.constant dense<2147483647> : vector<1xi32>
    %reduce_min3A_148 = vector.multi_reduction <minsi>, %reduce_min3A_146, %reduce_min3A_147 [1, 2] : vector<1x1x16384xi32> to vector<1xi32>
    %reduce_min3A_149 = vector.shape_cast %reduce_min3A_148 : vector<1xi32> to vector<1x1x1xi32>
    %reduce_min3A_150 = vector.extract %reduce_min3A_149[0, 0, 0] : i32 from vector<1x1x1xi32>
    %eq3A_151 = vector.broadcast %reduce_min3A_150 : i32 to vector<1x16384xi32>
    %eq3A_152 = arith.cmpi eq, %iota3A, %eq3A_151 : vector<1x16384xi32>
    %convert_element_type3A_153 = arith.extui %eq3A_152 : vector<1x16384xi1> to vector<1x16384xi32>
    %convert_element_type3A_154 = arith.sitofp %convert_element_type3A_153 : vector<1x16384xi32> to vector<1x16384xf32>
    %add3A_155 = arith.addf %add3A_132, %convert_element_type3A_154 : vector<1x16384xf32>
    %jit3A_156 = arith.constant 0xFF800000 : f32
    %broadcast_in_dim3A_157 = vector.broadcast %jit3A_156 : f32 to vector<1x16384xf32>
    %select_n3A_158 = arith.select %eq3A_152, %broadcast_in_dim3A_157, %select_n3A_135 : vector<1x16384xi1>, vector<1x16384xf32>
    %reduce_max3A_159 = vector.shape_cast %select_n3A_158 : vector<1x16384xf32> to vector<1x1x16384xf32>
    %reduce_max3A_160 = arith.constant dense<0xFF800000> : vector<1xf32>
    %reduce_max3A_161 = vector.multi_reduction <maximumf>, %reduce_max3A_159, %reduce_max3A_160 [1, 2] : vector<1x1x16384xf32> to vector<1xf32>
    %reduce_max3A_162 = vector.shape_cast %reduce_max3A_161 : vector<1xf32> to vector<1x1x1xf32>
    %reduce_max3A_163 = vector.extract %reduce_max3A_162[0, 0, 0] : f32 from vector<1x1x1xf32>
    %eq3A_164 = vector.broadcast %reduce_max3A_163 : f32 to vector<1x16384xf32>
    %eq3A_165 = arith.cmpf oeq, %select_n3A_158, %eq3A_164 : vector<1x16384xf32>
    %jit3A_166 = arith.constant 16384 : i32
    %broadcast_in_dim3A_167 = vector.broadcast %jit3A_166 : i32 to vector<1x16384xi32>
    %select_n3A_168 = arith.select %eq3A_165, %iota3A, %broadcast_in_dim3A_167 : vector<1x16384xi1>, vector<1x16384xi32>
    %reduce_min3A_169 = vector.shape_cast %select_n3A_168 : vector<1x16384xi32> to vector<1x1x16384xi32>
    %reduce_min3A_170 = arith.constant dense<2147483647> : vector<1xi32>
    %reduce_min3A_171 = vector.multi_reduction <minsi>, %reduce_min3A_169, %reduce_min3A_170 [1, 2] : vector<1x1x16384xi32> to vector<1xi32>
    %reduce_min3A_172 = vector.shape_cast %reduce_min3A_171 : vector<1xi32> to vector<1x1x1xi32>
    %reduce_min3A_173 = vector.extract %reduce_min3A_172[0, 0, 0] : i32 from vector<1x1x1xi32>
    %eq3A_174 = vector.broadcast %reduce_min3A_173 : i32 to vector<1x16384xi32>
    %eq3A_175 = arith.cmpi eq, %iota3A, %eq3A_174 : vector<1x16384xi32>
    %convert_element_type3A_176 = arith.extui %eq3A_175 : vector<1x16384xi1> to vector<1x16384xi32>
    %convert_element_type3A_177 = arith.sitofp %convert_element_type3A_176 : vector<1x16384xi32> to vector<1x16384xf32>
    %add3A_178 = arith.addf %add3A_155, %convert_element_type3A_177 : vector<1x16384xf32>
    %jit3A_179 = arith.constant 0xFF800000 : f32
    %broadcast_in_dim3A_180 = vector.broadcast %jit3A_179 : f32 to vector<1x16384xf32>
    %select_n3A_181 = arith.select %eq3A_175, %broadcast_in_dim3A_180, %select_n3A_158 : vector<1x16384xi1>, vector<1x16384xf32>
    %reduce_max3A_182 = vector.shape_cast %select_n3A_181 : vector<1x16384xf32> to vector<1x1x16384xf32>
    %reduce_max3A_183 = arith.constant dense<0xFF800000> : vector<1xf32>
    %reduce_max3A_184 = vector.multi_reduction <maximumf>, %reduce_max3A_182, %reduce_max3A_183 [1, 2] : vector<1x1x16384xf32> to vector<1xf32>
    %reduce_max3A_185 = vector.shape_cast %reduce_max3A_184 : vector<1xf32> to vector<1x1x1xf32>
    %reduce_max3A_186 = vector.extract %reduce_max3A_185[0, 0, 0] : f32 from vector<1x1x1xf32>
    %eq3A_187 = vector.broadcast %reduce_max3A_186 : f32 to vector<1x16384xf32>
    %eq3A_188 = arith.cmpf oeq, %select_n3A_181, %eq3A_187 : vector<1x16384xf32>
    %jit3A_189 = arith.constant 16384 : i32
    %broadcast_in_dim3A_190 = vector.broadcast %jit3A_189 : i32 to vector<1x16384xi32>
    %select_n3A_191 = arith.select %eq3A_188, %iota3A, %broadcast_in_dim3A_190 : vector<1x16384xi1>, vector<1x16384xi32>
    %reduce_min3A_192 = vector.shape_cast %select_n3A_191 : vector<1x16384xi32> to vector<1x1x16384xi32>
    %reduce_min3A_193 = arith.constant dense<2147483647> : vector<1xi32>
    %reduce_min3A_194 = vector.multi_reduction <minsi>, %reduce_min3A_192, %reduce_min3A_193 [1, 2] : vector<1x1x16384xi32> to vector<1xi32>
    %reduce_min3A_195 = vector.shape_cast %reduce_min3A_194 : vector<1xi32> to vector<1x1x1xi32>
    %reduce_min3A_196 = vector.extract %reduce_min3A_195[0, 0, 0] : i32 from vector<1x1x1xi32>
    %eq3A_197 = vector.broadcast %reduce_min3A_196 : i32 to vector<1x16384xi32>
    %eq3A_198 = arith.cmpi eq, %iota3A, %eq3A_197 : vector<1x16384xi32>
    %convert_element_type3A_199 = arith.extui %eq3A_198 : vector<1x16384xi1> to vector<1x16384xi32>
    %convert_element_type3A_200 = arith.sitofp %convert_element_type3A_199 : vector<1x16384xi32> to vector<1x16384xf32>
    %add3A_201 = arith.addf %add3A_178, %convert_element_type3A_200 : vector<1x16384xf32>
    %jit3A_202 = arith.constant 0xFF800000 : f32
    %broadcast_in_dim3A_203 = vector.broadcast %jit3A_202 : f32 to vector<1x16384xf32>
    %select_n3A_204 = arith.select %eq3A_198, %broadcast_in_dim3A_203, %select_n3A_181 : vector<1x16384xi1>, vector<1x16384xf32>
    %reduce_max3A_205 = vector.shape_cast %select_n3A_204 : vector<1x16384xf32> to vector<1x1x16384xf32>
    %reduce_max3A_206 = arith.constant dense<0xFF800000> : vector<1xf32>
    %reduce_max3A_207 = vector.multi_reduction <maximumf>, %reduce_max3A_205, %reduce_max3A_206 [1, 2] : vector<1x1x16384xf32> to vector<1xf32>
    %reduce_max3A_208 = vector.shape_cast %reduce_max3A_207 : vector<1xf32> to vector<1x1x1xf32>
    %reduce_max3A_209 = vector.extract %reduce_max3A_208[0, 0, 0] : f32 from vector<1x1x1xf32>
    %eq3A_210 = vector.broadcast %reduce_max3A_209 : f32 to vector<1x16384xf32>
    %eq3A_211 = arith.cmpf oeq, %select_n3A_204, %eq3A_210 : vector<1x16384xf32>
    %jit3A_212 = arith.constant 16384 : i32
    %broadcast_in_dim3A_213 = vector.broadcast %jit3A_212 : i32 to vector<1x16384xi32>
    %select_n3A_214 = arith.select %eq3A_211, %iota3A, %broadcast_in_dim3A_213 : vector<1x16384xi1>, vector<1x16384xi32>
    %reduce_min3A_215 = vector.shape_cast %select_n3A_214 : vector<1x16384xi32> to vector<1x1x16384xi32>
    %reduce_min3A_216 = arith.constant dense<2147483647> : vector<1xi32>
    %reduce_min3A_217 = vector.multi_reduction <minsi>, %reduce_min3A_215, %reduce_min3A_216 [1, 2] : vector<1x1x16384xi32> to vector<1xi32>
    %reduce_min3A_218 = vector.shape_cast %reduce_min3A_217 : vector<1xi32> to vector<1x1x1xi32>
    %reduce_min3A_219 = vector.extract %reduce_min3A_218[0, 0, 0] : i32 from vector<1x1x1xi32>
    %eq3A_220 = vector.broadcast %reduce_min3A_219 : i32 to vector<1x16384xi32>
    %eq3A_221 = arith.cmpi eq, %iota3A, %eq3A_220 : vector<1x16384xi32>
    %convert_element_type3A_222 = arith.extui %eq3A_221 : vector<1x16384xi1> to vector<1x16384xi32>
    %convert_element_type3A_223 = arith.sitofp %convert_element_type3A_222 : vector<1x16384xi32> to vector<1x16384xf32>
    %add3A_224 = arith.addf %add3A_201, %convert_element_type3A_223 : vector<1x16384xf32>
    %jit3A_225 = arith.constant 0xFF800000 : f32
    %broadcast_in_dim3A_226 = vector.broadcast %jit3A_225 : f32 to vector<1x16384xf32>
    %select_n3A_227 = arith.select %eq3A_221, %broadcast_in_dim3A_226, %select_n3A_204 : vector<1x16384xi1>, vector<1x16384xf32>
    %reduce_max3A_228 = vector.shape_cast %select_n3A_227 : vector<1x16384xf32> to vector<1x1x16384xf32>
    %reduce_max3A_229 = arith.constant dense<0xFF800000> : vector<1xf32>
    %reduce_max3A_230 = vector.multi_reduction <maximumf>, %reduce_max3A_228, %reduce_max3A_229 [1, 2] : vector<1x1x16384xf32> to vector<1xf32>
    %reduce_max3A_231 = vector.shape_cast %reduce_max3A_230 : vector<1xf32> to vector<1x1x1xf32>
    %reduce_max3A_232 = vector.extract %reduce_max3A_231[0, 0, 0] : f32 from vector<1x1x1xf32>
    %eq3A_233 = vector.broadcast %reduce_max3A_232 : f32 to vector<1x16384xf32>
    %eq3A_234 = arith.cmpf oeq, %select_n3A_227, %eq3A_233 : vector<1x16384xf32>
    %jit3A_235 = arith.constant 16384 : i32
    %broadcast_in_dim3A_236 = vector.broadcast %jit3A_235 : i32 to vector<1x16384xi32>
    %select_n3A_237 = arith.select %eq3A_234, %iota3A, %broadcast_in_dim3A_236 : vector<1x16384xi1>, vector<1x16384xi32>
    %reduce_min3A_238 = vector.shape_cast %select_n3A_237 : vector<1x16384xi32> to vector<1x1x16384xi32>
    %reduce_min3A_239 = arith.constant dense<2147483647> : vector<1xi32>
    %reduce_min3A_240 = vector.multi_reduction <minsi>, %reduce_min3A_238, %reduce_min3A_239 [1, 2] : vector<1x1x16384xi32> to vector<1xi32>
    %reduce_min3A_241 = vector.shape_cast %reduce_min3A_240 : vector<1xi32> to vector<1x1x1xi32>
    %reduce_min3A_242 = vector.extract %reduce_min3A_241[0, 0, 0] : i32 from vector<1x1x1xi32>
    %eq3A_243 = vector.broadcast %reduce_min3A_242 : i32 to vector<1x16384xi32>
    %eq3A_244 = arith.cmpi eq, %iota3A, %eq3A_243 : vector<1x16384xi32>
    %convert_element_type3A_245 = arith.extui %eq3A_244 : vector<1x16384xi1> to vector<1x16384xi32>
    %convert_element_type3A_246 = arith.sitofp %convert_element_type3A_245 : vector<1x16384xi32> to vector<1x16384xf32>
    %add3A_247 = arith.addf %add3A_224, %convert_element_type3A_246 : vector<1x16384xf32>
    %jit3A_248 = arith.constant 0xFF800000 : f32
    %broadcast_in_dim3A_249 = vector.broadcast %jit3A_248 : f32 to vector<1x16384xf32>
    %select_n3A_250 = arith.select %eq3A_244, %broadcast_in_dim3A_249, %select_n3A_227 : vector<1x16384xi1>, vector<1x16384xf32>
    %reduce_max3A_251 = vector.shape_cast %select_n3A_250 : vector<1x16384xf32> to vector<1x1x16384xf32>
    %reduce_max3A_252 = arith.constant dense<0xFF800000> : vector<1xf32>
    %reduce_max3A_253 = vector.multi_reduction <maximumf>, %reduce_max3A_251, %reduce_max3A_252 [1, 2] : vector<1x1x16384xf32> to vector<1xf32>
    %reduce_max3A_254 = vector.shape_cast %reduce_max3A_253 : vector<1xf32> to vector<1x1x1xf32>
    %reduce_max3A_255 = vector.extract %reduce_max3A_254[0, 0, 0] : f32 from vector<1x1x1xf32>
    %eq3A_256 = vector.broadcast %reduce_max3A_255 : f32 to vector<1x16384xf32>
    %eq3A_257 = arith.cmpf oeq, %select_n3A_250, %eq3A_256 : vector<1x16384xf32>
    %jit3A_258 = arith.constant 16384 : i32
    %broadcast_in_dim3A_259 = vector.broadcast %jit3A_258 : i32 to vector<1x16384xi32>
    %select_n3A_260 = arith.select %eq3A_257, %iota3A, %broadcast_in_dim3A_259 : vector<1x16384xi1>, vector<1x16384xi32>
    %reduce_min3A_261 = vector.shape_cast %select_n3A_260 : vector<1x16384xi32> to vector<1x1x16384xi32>
    %reduce_min3A_262 = arith.constant dense<2147483647> : vector<1xi32>
    %reduce_min3A_263 = vector.multi_reduction <minsi>, %reduce_min3A_261, %reduce_min3A_262 [1, 2] : vector<1x1x16384xi32> to vector<1xi32>
    %reduce_min3A_264 = vector.shape_cast %reduce_min3A_263 : vector<1xi32> to vector<1x1x1xi32>
    %reduce_min3A_265 = vector.extract %reduce_min3A_264[0, 0, 0] : i32 from vector<1x1x1xi32>
    %eq3A_266 = vector.broadcast %reduce_min3A_265 : i32 to vector<1x16384xi32>
    %eq3A_267 = arith.cmpi eq, %iota3A, %eq3A_266 : vector<1x16384xi32>
    %convert_element_type3A_268 = arith.extui %eq3A_267 : vector<1x16384xi1> to vector<1x16384xi32>
    %convert_element_type3A_269 = arith.sitofp %convert_element_type3A_268 : vector<1x16384xi32> to vector<1x16384xf32>
    %add3A_270 = arith.addf %add3A_247, %convert_element_type3A_269 : vector<1x16384xf32>
    %swap3A = arith.constant 0 : index
    %swap3A_271 = arith.constant 0 : index
    %swap3A_272 = arith.constant 0 : index
    %swap3A_273 = vector.load %arg3[%swap3A, %swap3A_271, %swap3A_272] : memref<1x1x16384xf32, #tpu.memory_space<vmem>>, vector<1x1x16384xf32>
    %swap3A_274 = vector.shape_cast %swap3A_273 : vector<1x1x16384xf32> to vector<1x16384xf32>
    %swap3A_275 = vector.shape_cast %add3A_270 : vector<1x16384xf32> to vector<1x1x16384xf32>
    tpu.vector_store %arg3[%swap3A, %swap3A_271, %swap3A_272], %swap3A_275 {strides = array<i32>} : memref<1x1x16384xf32, #tpu.memory_space<vmem>>, vector<1x1x16384xf32>,
    %get3A_276 = arith.constant 0 : index
    %get3A_277 = arith.constant 0 : index
    %get3A_278 = arith.constant 0 : index
    %get3A_279 = vector.load %arg2[%get3A_276, %get3A_277, %get3A_278] : memref<1x1x16384xf32, #tpu.memory_space<vmem>>, vector<1x1x16384xf32>
    %get3A_280 = vector.shape_cast %get3A_279 : vector<1x1x16384xf32> to vector<1x16384xf32>
    %broadcast_in_dim3A_281 = arith.constant 0.000000e+00 : f32
    %broadcast_in_dim3A_282 = vector.broadcast %broadcast_in_dim3A_281 : f32 to vector<1x16384xf32>
    %reduce_max3A_283 = vector.shape_cast %get3A_280 : vector<1x16384xf32> to vector<1x1x16384xf32>
    %reduce_max3A_284 = arith.constant dense<0xFF800000> : vector<1xf32>
    %reduce_max3A_285 = vector.multi_reduction <maximumf>, %reduce_max3A_283, %reduce_max3A_284 [1, 2] : vector<1x1x16384xf32> to vector<1xf32>
    %reduce_max3A_286 = vector.shape_cast %reduce_max3A_285 : vector<1xf32> to vector<1x1x1xf32>
    %reduce_max3A_287 = vector.extract %reduce_max3A_286[0, 0, 0] : f32 from vector<1x1x1xf32>
    %eq3A_288 = vector.broadcast %reduce_max3A_287 : f32 to vector<1x16384xf32>
    %eq3A_289 = arith.cmpf oeq, %get3A_280, %eq3A_288 : vector<1x16384xf32>
    %jit3A_290 = arith.constant 16384 : i32
    %broadcast_in_dim3A_291 = vector.broadcast %jit3A_290 : i32 to vector<1x16384xi32>
    %select_n3A_292 = arith.select %eq3A_289, %iota3A, %broadcast_in_dim3A_291 : vector<1x16384xi1>, vector<1x16384xi32>
    %reduce_min3A_293 = vector.shape_cast %select_n3A_292 : vector<1x16384xi32> to vector<1x1x16384xi32>
    %reduce_min3A_294 = arith.constant dense<2147483647> : vector<1xi32>
    %reduce_min3A_295 = vector.multi_reduction <minsi>, %reduce_min3A_293, %reduce_min3A_294 [1, 2] : vector<1x1x16384xi32> to vector<1xi32>
    %reduce_min3A_296 = vector.shape_cast %reduce_min3A_295 : vector<1xi32> to vector<1x1x1xi32>
    %reduce_min3A_297 = vector.extract %reduce_min3A_296[0, 0, 0] : i32 from vector<1x1x1xi32>
    %eq3A_298 = vector.broadcast %reduce_min3A_297 : i32 to vector<1x16384xi32>
    %eq3A_299 = arith.cmpi eq, %iota3A, %eq3A_298 : vector<1x16384xi32>
    %convert_element_type3A_300 = arith.extui %eq3A_299 : vector<1x16384xi1> to vector<1x16384xi32>
    %convert_element_type3A_301 = arith.sitofp %convert_element_type3A_300 : vector<1x16384xi32> to vector<1x16384xf32>
    %add3A_302 = arith.addf %broadcast_in_dim3A_282, %convert_element_type3A_301 : vector<1x16384xf32>
    %jit3A_303 = arith.constant 0xFF800000 : f32
    %broadcast_in_dim3A_304 = vector.broadcast %jit3A_303 : f32 to vector<1x16384xf32>
    %select_n3A_305 = arith.select %eq3A_299, %broadcast_in_dim3A_304, %get3A_280 : vector<1x16384xi1>, vector<1x16384xf32>
    %reduce_max3A_306 = vector.shape_cast %select_n3A_305 : vector<1x16384xf32> to vector<1x1x16384xf32>
    %reduce_max3A_307 = arith.constant dense<0xFF800000> : vector<1xf32>
    %reduce_max3A_308 = vector.multi_reduction <maximumf>, %reduce_max3A_306, %reduce_max3A_307 [1, 2] : vector<1x1x16384xf32> to vector<1xf32>
    %reduce_max3A_309 = vector.shape_cast %reduce_max3A_308 : vector<1xf32> to vector<1x1x1xf32>
    %reduce_max3A_310 = vector.extract %reduce_max3A_309[0, 0, 0] : f32 from vector<1x1x1xf32>
    %eq3A_311 = vector.broadcast %reduce_max3A_310 : f32 to vector<1x16384xf32>
    %eq3A_312 = arith.cmpf oeq, %select_n3A_305, %eq3A_311 : vector<1x16384xf32>
    %jit3A_313 = arith.constant 16384 : i32
    %broadcast_in_dim3A_314 = vector.broadcast %jit3A_313 : i32 to vector<1x16384xi32>
    %select_n3A_315 = arith.select %eq3A_312, %iota3A, %broadcast_in_dim3A_314 : vector<1x16384xi1>, vector<1x16384xi32>
    %reduce_min3A_316 = vector.shape_cast %select_n3A_315 : vector<1x16384xi32> to vector<1x1x16384xi32>
    %reduce_min3A_317 = arith.constant dense<2147483647> : vector<1xi32>
    %reduce_min3A_318 = vector.multi_reduction <minsi>, %reduce_min3A_316, %reduce_min3A_317 [1, 2] : vector<1x1x16384xi32> to vector<1xi32>
    %reduce_min3A_319 = vector.shape_cast %reduce_min3A_318 : vector<1xi32> to vector<1x1x1xi32>
    %reduce_min3A_320 = vector.extract %reduce_min3A_319[0, 0, 0] : i32 from vector<1x1x1xi32>
    %eq3A_321 = vector.broadcast %reduce_min3A_320 : i32 to vector<1x16384xi32>
    %eq3A_322 = arith.cmpi eq, %iota3A, %eq3A_321 : vector<1x16384xi32>
    %convert_element_type3A_323 = arith.extui %eq3A_322 : vector<1x16384xi1> to vector<1x16384xi32>
    %convert_element_type3A_324 = arith.sitofp %convert_element_type3A_323 : vector<1x16384xi32> to vector<1x16384xf32>
    %add3A_325 = arith.addf %add3A_302, %convert_element_type3A_324 : vector<1x16384xf32>
    %jit3A_326 = arith.constant 0xFF800000 : f32
    %broadcast_in_dim3A_327 = vector.broadcast %jit3A_326 : f32 to vector<1x16384xf32>
    %select_n3A_328 = arith.select %eq3A_322, %broadcast_in_dim3A_327, %select_n3A_305 : vector<1x16384xi1>, vector<1x16384xf32>
    %reduce_max3A_329 = vector.shape_cast %select_n3A_328 : vector<1x16384xf32> to vector<1x1x16384xf32>
    %reduce_max3A_330 = arith.constant dense<0xFF800000> : vector<1xf32>
    %reduce_max3A_331 = vector.multi_reduction <maximumf>, %reduce_max3A_329, %reduce_max3A_330 [1, 2] : vector<1x1x16384xf32> to vector<1xf32>
    %reduce_max3A_332 = vector.shape_cast %reduce_max3A_331 : vector<1xf32> to vector<1x1x1xf32>
    %reduce_max3A_333 = vector.extract %reduce_max3A_332[0, 0, 0] : f32 from vector<1x1x1xf32>
    %eq3A_334 = vector.broadcast %reduce_max3A_333 : f32 to vector<1x16384xf32>
    %eq3A_335 = arith.cmpf oeq, %select_n3A_328, %eq3A_334 : vector<1x16384xf32>
    %jit3A_336 = arith.constant 16384 : i32
    %broadcast_in_dim3A_337 = vector.broadcast %jit3A_336 : i32 to vector<1x16384xi32>
    %select_n3A_338 = arith.select %eq3A_335, %iota3A, %broadcast_in_dim3A_337 : vector<1x16384xi1>, vector<1x16384xi32>
    %reduce_min3A_339 = vector.shape_cast %select_n3A_338 : vector<1x16384xi32> to vector<1x1x16384xi32>
    %reduce_min3A_340 = arith.constant dense<2147483647> : vector<1xi32>
    %reduce_min3A_341 = vector.multi_reduction <minsi>, %reduce_min3A_339, %reduce_min3A_340 [1, 2] : vector<1x1x16384xi32> to vector<1xi32>
    %reduce_min3A_342 = vector.shape_cast %reduce_min3A_341 : vector<1xi32> to vector<1x1x1xi32>
    %reduce_min3A_343 = vector.extract %reduce_min3A_342[0, 0, 0] : i32 from vector<1x1x1xi32>
    %eq3A_344 = vector.broadcast %reduce_min3A_343 : i32 to vector<1x16384xi32>
    %eq3A_345 = arith.cmpi eq, %iota3A, %eq3A_344 : vector<1x16384xi32>
    %convert_element_type3A_346 = arith.extui %eq3A_345 : vector<1x16384xi1> to vector<1x16384xi32>
    %convert_element_type3A_347 = arith.sitofp %convert_element_type3A_346 : vector<1x16384xi32> to vector<1x16384xf32>
    %add3A_348 = arith.addf %add3A_325, %convert_element_type3A_347 : vector<1x16384xf32>
    %jit3A_349 = arith.constant 0xFF800000 : f32
    %broadcast_in_dim3A_350 = vector.broadcast %jit3A_349 : f32 to vector<1x16384xf32>
    %select_n3A_351 = arith.select %eq3A_345, %broadcast_in_dim3A_350, %select_n3A_328 : vector<1x16384xi1>, vector<1x16384xf32>
    %reduce_max3A_352 = vector.shape_cast %select_n3A_351 : vector<1x16384xf32> to vector<1x1x16384xf32>
    %reduce_max3A_353 = arith.constant dense<0xFF800000> : vector<1xf32>
    %reduce_max3A_354 = vector.multi_reduction <maximumf>, %reduce_max3A_352, %reduce_max3A_353 [1, 2] : vector<1x1x16384xf32> to vector<1xf32>
    %reduce_max3A_355 = vector.shape_cast %reduce_max3A_354 : vector<1xf32> to vector<1x1x1xf32>
    %reduce_max3A_356 = vector.extract %reduce_max3A_355[0, 0, 0] : f32 from vector<1x1x1xf32>
    %eq3A_357 = vector.broadcast %reduce_max3A_356 : f32 to vector<1x16384xf32>
    %eq3A_358 = arith.cmpf oeq, %select_n3A_351, %eq3A_357 : vector<1x16384xf32>
    %jit3A_359 = arith.constant 16384 : i32
    %broadcast_in_dim3A_360 = vector.broadcast %jit3A_359 : i32 to vector<1x16384xi32>
    %select_n3A_361 = arith.select %eq3A_358, %iota3A, %broadcast_in_dim3A_360 : vector<1x16384xi1>, vector<1x16384xi32>
    %reduce_min3A_362 = vector.shape_cast %select_n3A_361 : vector<1x16384xi32> to vector<1x1x16384xi32>
    %reduce_min3A_363 = arith.constant dense<2147483647> : vector<1xi32>
    %reduce_min3A_364 = vector.multi_reduction <minsi>, %reduce_min3A_362, %reduce_min3A_363 [1, 2] : vector<1x1x16384xi32> to vector<1xi32>
    %reduce_min3A_365 = vector.shape_cast %reduce_min3A_364 : vector<1xi32> to vector<1x1x1xi32>
    %reduce_min3A_366 = vector.extract %reduce_min3A_365[0, 0, 0] : i32 from vector<1x1x1xi32>
    %eq3A_367 = vector.broadcast %reduce_min3A_366 : i32 to vector<1x16384xi32>
    %eq3A_368 = arith.cmpi eq, %iota3A, %eq3A_367 : vector<1x16384xi32>
    %convert_element_type3A_369 = arith.extui %eq3A_368 : vector<1x16384xi1> to vector<1x16384xi32>
    %convert_element_type3A_370 = arith.sitofp %convert_element_type3A_369 : vector<1x16384xi32> to vector<1x16384xf32>
    %add3A_371 = arith.addf %add3A_348, %convert_element_type3A_370 : vector<1x16384xf32>
    %jit3A_372 = arith.constant 0xFF800000 : f32
    %broadcast_in_dim3A_373 = vector.broadcast %jit3A_372 : f32 to vector<1x16384xf32>
    %select_n3A_374 = arith.select %eq3A_368, %broadcast_in_dim3A_373, %select_n3A_351 : vector<1x16384xi1>, vector<1x16384xf32>
    %reduce_max3A_375 = vector.shape_cast %select_n3A_374 : vector<1x16384xf32> to vector<1x1x16384xf32>
    %reduce_max3A_376 = arith.constant dense<0xFF800000> : vector<1xf32>
    %reduce_max3A_377 = vector.multi_reduction <maximumf>, %reduce_max3A_375, %reduce_max3A_376 [1, 2] : vector<1x1x16384xf32> to vector<1xf32>
    %reduce_max3A_378 = vector.shape_cast %reduce_max3A_377 : vector<1xf32> to vector<1x1x1xf32>
    %reduce_max3A_379 = vector.extract %reduce_max3A_378[0, 0, 0] : f32 from vector<1x1x1xf32>
    %eq3A_380 = vector.broadcast %reduce_max3A_379 : f32 to vector<1x16384xf32>
    %eq3A_381 = arith.cmpf oeq, %select_n3A_374, %eq3A_380 : vector<1x16384xf32>
    %jit3A_382 = arith.constant 16384 : i32
    %broadcast_in_dim3A_383 = vector.broadcast %jit3A_382 : i32 to vector<1x16384xi32>
    %select_n3A_384 = arith.select %eq3A_381, %iota3A, %broadcast_in_dim3A_383 : vector<1x16384xi1>, vector<1x16384xi32>
    %reduce_min3A_385 = vector.shape_cast %select_n3A_384 : vector<1x16384xi32> to vector<1x1x16384xi32>
    %reduce_min3A_386 = arith.constant dense<2147483647> : vector<1xi32>
    %reduce_min3A_387 = vector.multi_reduction <minsi>, %reduce_min3A_385, %reduce_min3A_386 [1, 2] : vector<1x1x16384xi32> to vector<1xi32>
    %reduce_min3A_388 = vector.shape_cast %reduce_min3A_387 : vector<1xi32> to vector<1x1x1xi32>
    %reduce_min3A_389 = vector.extract %reduce_min3A_388[0, 0, 0] : i32 from vector<1x1x1xi32>
    %eq3A_390 = vector.broadcast %reduce_min3A_389 : i32 to vector<1x16384xi32>
    %eq3A_391 = arith.cmpi eq, %iota3A, %eq3A_390 : vector<1x16384xi32>
    %convert_element_type3A_392 = arith.extui %eq3A_391 : vector<1x16384xi1> to vector<1x16384xi32>
    %convert_element_type3A_393 = arith.sitofp %convert_element_type3A_392 : vector<1x16384xi32> to vector<1x16384xf32>
    %add3A_394 = arith.addf %add3A_371, %convert_element_type3A_393 : vector<1x16384xf32>
    %jit3A_395 = arith.constant 0xFF800000 : f32
    %broadcast_in_dim3A_396 = vector.broadcast %jit3A_395 : f32 to vector<1x16384xf32>
    %select_n3A_397 = arith.select %eq3A_391, %broadcast_in_dim3A_396, %select_n3A_374 : vector<1x16384xi1>, vector<1x16384xf32>
    %reduce_max3A_398 = vector.shape_cast %select_n3A_397 : vector<1x16384xf32> to vector<1x1x16384xf32>
    %reduce_max3A_399 = arith.constant dense<0xFF800000> : vector<1xf32>
    %reduce_max3A_400 = vector.multi_reduction <maximumf>, %reduce_max3A_398, %reduce_max3A_399 [1, 2] : vector<1x1x16384xf32> to vector<1xf32>
    %reduce_max3A_401 = vector.shape_cast %reduce_max3A_400 : vector<1xf32> to vector<1x1x1xf32>
    %reduce_max3A_402 = vector.extract %reduce_max3A_401[0, 0, 0] : f32 from vector<1x1x1xf32>
    %eq3A_403 = vector.broadcast %reduce_max3A_402 : f32 to vector<1x16384xf32>
    %eq3A_404 = arith.cmpf oeq, %select_n3A_397, %eq3A_403 : vector<1x16384xf32>
    %jit3A_405 = arith.constant 16384 : i32
    %broadcast_in_dim3A_406 = vector.broadcast %jit3A_405 : i32 to vector<1x16384xi32>
    %select_n3A_407 = arith.select %eq3A_404, %iota3A, %broadcast_in_dim3A_406 : vector<1x16384xi1>, vector<1x16384xi32>
    %reduce_min3A_408 = vector.shape_cast %select_n3A_407 : vector<1x16384xi32> to vector<1x1x16384xi32>
    %reduce_min3A_409 = arith.constant dense<2147483647> : vector<1xi32>
    %reduce_min3A_410 = vector.multi_reduction <minsi>, %reduce_min3A_408, %reduce_min3A_409 [1, 2] : vector<1x1x16384xi32> to vector<1xi32>
    %reduce_min3A_411 = vector.shape_cast %reduce_min3A_410 : vector<1xi32> to vector<1x1x1xi32>
    %reduce_min3A_412 = vector.extract %reduce_min3A_411[0, 0, 0] : i32 from vector<1x1x1xi32>
    %eq3A_413 = vector.broadcast %reduce_min3A_412 : i32 to vector<1x16384xi32>
    %eq3A_414 = arith.cmpi eq, %iota3A, %eq3A_413 : vector<1x16384xi32>
    %convert_element_type3A_415 = arith.extui %eq3A_414 : vector<1x16384xi1> to vector<1x16384xi32>
    %convert_element_type3A_416 = arith.sitofp %convert_element_type3A_415 : vector<1x16384xi32> to vector<1x16384xf32>
    %add3A_417 = arith.addf %add3A_394, %convert_element_type3A_416 : vector<1x16384xf32>
    %jit3A_418 = arith.constant 0xFF800000 : f32
    %broadcast_in_dim3A_419 = vector.broadcast %jit3A_418 : f32 to vector<1x16384xf32>
    %select_n3A_420 = arith.select %eq3A_414, %broadcast_in_dim3A_419, %select_n3A_397 : vector<1x16384xi1>, vector<1x16384xf32>
    %reduce_max3A_421 = vector.shape_cast %select_n3A_420 : vector<1x16384xf32> to vector<1x1x16384xf32>
    %reduce_max3A_422 = arith.constant dense<0xFF800000> : vector<1xf32>
    %reduce_max3A_423 = vector.multi_reduction <maximumf>, %reduce_max3A_421, %reduce_max3A_422 [1, 2] : vector<1x1x16384xf32> to vector<1xf32>
    %reduce_max3A_424 = vector.shape_cast %reduce_max3A_423 : vector<1xf32> to vector<1x1x1xf32>
    %reduce_max3A_425 = vector.extract %reduce_max3A_424[0, 0, 0] : f32 from vector<1x1x1xf32>
    %eq3A_426 = vector.broadcast %reduce_max3A_425 : f32 to vector<1x16384xf32>
    %eq3A_427 = arith.cmpf oeq, %select_n3A_420, %eq3A_426 : vector<1x16384xf32>
    %jit3A_428 = arith.constant 16384 : i32
    %broadcast_in_dim3A_429 = vector.broadcast %jit3A_428 : i32 to vector<1x16384xi32>
    %select_n3A_430 = arith.select %eq3A_427, %iota3A, %broadcast_in_dim3A_429 : vector<1x16384xi1>, vector<1x16384xi32>
    %reduce_min3A_431 = vector.shape_cast %select_n3A_430 : vector<1x16384xi32> to vector<1x1x16384xi32>
    %reduce_min3A_432 = arith.constant dense<2147483647> : vector<1xi32>
    %reduce_min3A_433 = vector.multi_reduction <minsi>, %reduce_min3A_431, %reduce_min3A_432 [1, 2] : vector<1x1x16384xi32> to vector<1xi32>
    %reduce_min3A_434 = vector.shape_cast %reduce_min3A_433 : vector<1xi32> to vector<1x1x1xi32>
    %reduce_min3A_435 = vector.extract %reduce_min3A_434[0, 0, 0] : i32 from vector<1x1x1xi32>
    %eq3A_436 = vector.broadcast %reduce_min3A_435 : i32 to vector<1x16384xi32>
    %eq3A_437 = arith.cmpi eq, %iota3A, %eq3A_436 : vector<1x16384xi32>
    %convert_element_type3A_438 = arith.extui %eq3A_437 : vector<1x16384xi1> to vector<1x16384xi32>
    %convert_element_type3A_439 = arith.sitofp %convert_element_type3A_438 : vector<1x16384xi32> to vector<1x16384xf32>
    %add3A_440 = arith.addf %add3A_417, %convert_element_type3A_439 : vector<1x16384xf32>
    %jit3A_441 = arith.constant 0xFF800000 : f32
    %broadcast_in_dim3A_442 = vector.broadcast %jit3A_441 : f32 to vector<1x16384xf32>
    %select_n3A_443 = arith.select %eq3A_437, %broadcast_in_dim3A_442, %select_n3A_420 : vector<1x16384xi1>, vector<1x16384xf32>
    %reduce_max3A_444 = vector.shape_cast %select_n3A_443 : vector<1x16384xf32> to vector<1x1x16384xf32>
    %reduce_max3A_445 = arith.constant dense<0xFF800000> : vector<1xf32>
    %reduce_max3A_446 = vector.multi_reduction <maximumf>, %reduce_max3A_444, %reduce_max3A_445 [1, 2] : vector<1x1x16384xf32> to vector<1xf32>
    %reduce_max3A_447 = vector.shape_cast %reduce_max3A_446 : vector<1xf32> to vector<1x1x1xf32>
    %reduce_max3A_448 = vector.extract %reduce_max3A_447[0, 0, 0] : f32 from vector<1x1x1xf32>
    %eq3A_449 = vector.broadcast %reduce_max3A_448 : f32 to vector<1x16384xf32>
    %eq3A_450 = arith.cmpf oeq, %select_n3A_443, %eq3A_449 : vector<1x16384xf32>
    %jit3A_451 = arith.constant 16384 : i32
    %broadcast_in_dim3A_452 = vector.broadcast %jit3A_451 : i32 to vector<1x16384xi32>
    %select_n3A_453 = arith.select %eq3A_450, %iota3A, %broadcast_in_dim3A_452 : vector<1x16384xi1>, vector<1x16384xi32>
    %reduce_min3A_454 = vector.shape_cast %select_n3A_453 : vector<1x16384xi32> to vector<1x1x16384xi32>
    %reduce_min3A_455 = arith.constant dense<2147483647> : vector<1xi32>
    %reduce_min3A_456 = vector.multi_reduction <minsi>, %reduce_min3A_454, %reduce_min3A_455 [1, 2] : vector<1x1x16384xi32> to vector<1xi32>
    %reduce_min3A_457 = vector.shape_cast %reduce_min3A_456 : vector<1xi32> to vector<1x1x1xi32>
    %reduce_min3A_458 = vector.extract %reduce_min3A_457[0, 0, 0] : i32 from vector<1x1x1xi32>
    %eq3A_459 = vector.broadcast %reduce_min3A_458 : i32 to vector<1x16384xi32>
    %eq3A_460 = arith.cmpi eq, %iota3A, %eq3A_459 : vector<1x16384xi32>
    %convert_element_type3A_461 = arith.extui %eq3A_460 : vector<1x16384xi1> to vector<1x16384xi32>
    %convert_element_type3A_462 = arith.sitofp %convert_element_type3A_461 : vector<1x16384xi32> to vector<1x16384xf32>
    %add3A_463 = arith.addf %add3A_440, %convert_element_type3A_462 : vector<1x16384xf32>
    %jit3A_464 = arith.constant 0xFF800000 : f32
    %broadcast_in_dim3A_465 = vector.broadcast %jit3A_464 : f32 to vector<1x16384xf32>
    %select_n3A_466 = arith.select %eq3A_460, %broadcast_in_dim3A_465, %select_n3A_443 : vector<1x16384xi1>, vector<1x16384xf32>
    %reduce_max3A_467 = vector.shape_cast %select_n3A_466 : vector<1x16384xf32> to vector<1x1x16384xf32>
    %reduce_max3A_468 = arith.constant dense<0xFF800000> : vector<1xf32>
    %reduce_max3A_469 = vector.multi_reduction <maximumf>, %reduce_max3A_467, %reduce_max3A_468 [1, 2] : vector<1x1x16384xf32> to vector<1xf32>
    %reduce_max3A_470 = vector.shape_cast %reduce_max3A_469 : vector<1xf32> to vector<1x1x1xf32>
    %reduce_max3A_471 = vector.extract %reduce_max3A_470[0, 0, 0] : f32 from vector<1x1x1xf32>
    %eq3A_472 = vector.broadcast %reduce_max3A_471 : f32 to vector<1x16384xf32>
    %eq3A_473 = arith.cmpf oeq, %select_n3A_466, %eq3A_472 : vector<1x16384xf32>
    %jit3A_474 = arith.constant 16384 : i32
    %broadcast_in_dim3A_475 = vector.broadcast %jit3A_474 : i32 to vector<1x16384xi32>
    %select_n3A_476 = arith.select %eq3A_473, %iota3A, %broadcast_in_dim3A_475 : vector<1x16384xi1>, vector<1x16384xi32>
    %reduce_min3A_477 = vector.shape_cast %select_n3A_476 : vector<1x16384xi32> to vector<1x1x16384xi32>
    %reduce_min3A_478 = arith.constant dense<2147483647> : vector<1xi32>
    %reduce_min3A_479 = vector.multi_reduction <minsi>, %reduce_min3A_477, %reduce_min3A_478 [1, 2] : vector<1x1x16384xi32> to vector<1xi32>
    %reduce_min3A_480 = vector.shape_cast %reduce_min3A_479 : vector<1xi32> to vector<1x1x1xi32>
    %reduce_min3A_481 = vector.extract %reduce_min3A_480[0, 0, 0] : i32 from vector<1x1x1xi32>
    %eq3A_482 = vector.broadcast %reduce_min3A_481 : i32 to vector<1x16384xi32>
    %eq3A_483 = arith.cmpi eq, %iota3A, %eq3A_482 : vector<1x16384xi32>
    %convert_element_type3A_484 = arith.extui %eq3A_483 : vector<1x16384xi1> to vector<1x16384xi32>
    %convert_element_type3A_485 = arith.sitofp %convert_element_type3A_484 : vector<1x16384xi32> to vector<1x16384xf32>
    %add3A_486 = arith.addf %add3A_463, %convert_element_type3A_485 : vector<1x16384xf32>
    %jit3A_487 = arith.constant 0xFF800000 : f32
    %broadcast_in_dim3A_488 = vector.broadcast %jit3A_487 : f32 to vector<1x16384xf32>
    %select_n3A_489 = arith.select %eq3A_483, %broadcast_in_dim3A_488, %select_n3A_466 : vector<1x16384xi1>, vector<1x16384xf32>
    %reduce_max3A_490 = vector.shape_cast %select_n3A_489 : vector<1x16384xf32> to vector<1x1x16384xf32>
    %reduce_max3A_491 = arith.constant dense<0xFF800000> : vector<1xf32>
    %reduce_max3A_492 = vector.multi_reduction <maximumf>, %reduce_max3A_490, %reduce_max3A_491 [1, 2] : vector<1x1x16384xf32> to vector<1xf32>
    %reduce_max3A_493 = vector.shape_cast %reduce_max3A_492 : vector<1xf32> to vector<1x1x1xf32>
    %reduce_max3A_494 = vector.extract %reduce_max3A_493[0, 0, 0] : f32 from vector<1x1x1xf32>
    %eq3A_495 = vector.broadcast %reduce_max3A_494 : f32 to vector<1x16384xf32>
    %eq3A_496 = arith.cmpf oeq, %select_n3A_489, %eq3A_495 : vector<1x16384xf32>
    %jit3A_497 = arith.constant 16384 : i32
    %broadcast_in_dim3A_498 = vector.broadcast %jit3A_497 : i32 to vector<1x16384xi32>
    %select_n3A_499 = arith.select %eq3A_496, %iota3A, %broadcast_in_dim3A_498 : vector<1x16384xi1>, vector<1x16384xi32>
    %reduce_min3A_500 = vector.shape_cast %select_n3A_499 : vector<1x16384xi32> to vector<1x1x16384xi32>
    %reduce_min3A_501 = arith.constant dense<2147483647> : vector<1xi32>
    %reduce_min3A_502 = vector.multi_reduction <minsi>, %reduce_min3A_500, %reduce_min3A_501 [1, 2] : vector<1x1x16384xi32> to vector<1xi32>
    %reduce_min3A_503 = vector.shape_cast %reduce_min3A_502 : vector<1xi32> to vector<1x1x1xi32>
    %reduce_min3A_504 = vector.extract %reduce_min3A_503[0, 0, 0] : i32 from vector<1x1x1xi32>
    %eq3A_505 = vector.broadcast %reduce_min3A_504 : i32 to vector<1x16384xi32>
    %eq3A_506 = arith.cmpi eq, %iota3A, %eq3A_505 : vector<1x16384xi32>
    %convert_element_type3A_507 = arith.extui %eq3A_506 : vector<1x16384xi1> to vector<1x16384xi32>
    %convert_element_type3A_508 = arith.sitofp %convert_element_type3A_507 : vector<1x16384xi32> to vector<1x16384xf32>
    %add3A_509 = arith.addf %add3A_486, %convert_element_type3A_508 : vector<1x16384xf32>
    %jit3A_510 = arith.constant 0xFF800000 : f32
    %broadcast_in_dim3A_511 = vector.broadcast %jit3A_510 : f32 to vector<1x16384xf32>
    %select_n3A_512 = arith.select %eq3A_506, %broadcast_in_dim3A_511, %select_n3A_489 : vector<1x16384xi1>, vector<1x16384xf32>
    %reduce_max3A_513 = vector.shape_cast %select_n3A_512 : vector<1x16384xf32> to vector<1x1x16384xf32>
    %reduce_max3A_514 = arith.constant dense<0xFF800000> : vector<1xf32>
    %reduce_max3A_515 = vector.multi_reduction <maximumf>, %reduce_max3A_513, %reduce_max3A_514 [1, 2] : vector<1x1x16384xf32> to vector<1xf32>
    %reduce_max3A_516 = vector.shape_cast %reduce_max3A_515 : vector<1xf32> to vector<1x1x1xf32>
    %reduce_max3A_517 = vector.extract %reduce_max3A_516[0, 0, 0] : f32 from vector<1x1x1xf32>
    %eq3A_518 = vector.broadcast %reduce_max3A_517 : f32 to vector<1x16384xf32>
    %eq3A_519 = arith.cmpf oeq, %select_n3A_512, %eq3A_518 : vector<1x16384xf32>
    %jit3A_520 = arith.constant 16384 : i32
    %broadcast_in_dim3A_521 = vector.broadcast %jit3A_520 : i32 to vector<1x16384xi32>
    %select_n3A_522 = arith.select %eq3A_519, %iota3A, %broadcast_in_dim3A_521 : vector<1x16384xi1>, vector<1x16384xi32>
    %reduce_min3A_523 = vector.shape_cast %select_n3A_522 : vector<1x16384xi32> to vector<1x1x16384xi32>
    %reduce_min3A_524 = arith.constant dense<2147483647> : vector<1xi32>
    %reduce_min3A_525 = vector.multi_reduction <minsi>, %reduce_min3A_523, %reduce_min3A_524 [1, 2] : vector<1x1x16384xi32> to vector<1xi32>
    %reduce_min3A_526 = vector.shape_cast %reduce_min3A_525 : vector<1xi32> to vector<1x1x1xi32>
    %reduce_min3A_527 = vector.extract %reduce_min3A_526[0, 0, 0] : i32 from vector<1x1x1xi32>
    %eq3A_528 = vector.broadcast %reduce_min3A_527 : i32 to vector<1x16384xi32>
    %eq3A_529 = arith.cmpi eq, %iota3A, %eq3A_528 : vector<1x16384xi32>
    %convert_element_type3A_530 = arith.extui %eq3A_529 : vector<1x16384xi1> to vector<1x16384xi32>
    %convert_element_type3A_531 = arith.sitofp %convert_element_type3A_530 : vector<1x16384xi32> to vector<1x16384xf32>
    %add3A_532 = arith.addf %add3A_509, %convert_element_type3A_531 : vector<1x16384xf32>
    %jit3A_533 = arith.constant 0xFF800000 : f32
    %broadcast_in_dim3A_534 = vector.broadcast %jit3A_533 : f32 to vector<1x16384xf32>
    %select_n3A_535 = arith.select %eq3A_529, %broadcast_in_dim3A_534, %select_n3A_512 : vector<1x16384xi1>, vector<1x16384xf32>
    %reduce_max3A_536 = vector.shape_cast %select_n3A_535 : vector<1x16384xf32> to vector<1x1x16384xf32>
    %reduce_max3A_537 = arith.constant dense<0xFF800000> : vector<1xf32>
    %reduce_max3A_538 = vector.multi_reduction <maximumf>, %reduce_max3A_536, %reduce_max3A_537 [1, 2] : vector<1x1x16384xf32> to vector<1xf32>
    %reduce_max3A_539 = vector.shape_cast %reduce_max3A_538 : vector<1xf32> to vector<1x1x1xf32>
    %reduce_max3A_540 = vector.extract %reduce_max3A_539[0, 0, 0] : f32 from vector<1x1x1xf32>
    %eq3A_541 = vector.broadcast %reduce_max3A_540 : f32 to vector<1x16384xf32>
    %eq3A_542 = arith.cmpf oeq, %select_n3A_535, %eq3A_541 : vector<1x16384xf32>
    %jit3A_543 = arith.constant 16384 : i32
    %broadcast_in_dim3A_544 = vector.broadcast %jit3A_543 : i32 to vector<1x16384xi32>
    %select_n3A_545 = arith.select %eq3A_542, %iota3A, %broadcast_in_dim3A_544 : vector<1x16384xi1>, vector<1x16384xi32>
    %reduce_min3A_546 = vector.shape_cast %select_n3A_545 : vector<1x16384xi32> to vector<1x1x16384xi32>
    %reduce_min3A_547 = arith.constant dense<2147483647> : vector<1xi32>
    %reduce_min3A_548 = vector.multi_reduction <minsi>, %reduce_min3A_546, %reduce_min3A_547 [1, 2] : vector<1x1x16384xi32> to vector<1xi32>
    %reduce_min3A_549 = vector.shape_cast %reduce_min3A_548 : vector<1xi32> to vector<1x1x1xi32>
    %reduce_min3A_550 = vector.extract %reduce_min3A_549[0, 0, 0] : i32 from vector<1x1x1xi32>
    %eq3A_551 = vector.broadcast %reduce_min3A_550 : i32 to vector<1x16384xi32>
    %eq3A_552 = arith.cmpi eq, %iota3A, %eq3A_551 : vector<1x16384xi32>
    %convert_element_type3A_553 = arith.extui %eq3A_552 : vector<1x16384xi1> to vector<1x16384xi32>
    %convert_element_type3A_554 = arith.sitofp %convert_element_type3A_553 : vector<1x16384xi32> to vector<1x16384xf32>
    %add3A_555 = arith.addf %add3A_532, %convert_element_type3A_554 : vector<1x16384xf32>
    %swap3A_556 = arith.constant 0 : index
    %swap3A_557 = arith.constant 0 : index
    %swap3A_558 = arith.constant 0 : index
    %swap3A_559 = vector.load %arg4[%swap3A_556, %swap3A_557, %swap3A_558] : memref<1x1x16384xf32, #tpu.memory_space<vmem>>, vector<1x1x16384xf32>
    %swap3A_560 = vector.shape_cast %swap3A_559 : vector<1x1x16384xf32> to vector<1x16384xf32>
    %swap3A_561 = vector.shape_cast %add3A_555 : vector<1x16384xf32> to vector<1x1x16384xf32>
    tpu.vector_store %arg4[%swap3A_556, %swap3A_557, %swap3A_558], %swap3A_561 {strides = array<i32>} : memref<1x1x16384xf32, #tpu.memory_space<vmem>>, vector<1x1x16384xf32>,
    return
  }
  func.func @transform_0(%arg0: i32) -> (i32, i32, i32) {
    %c0_i32 = arith.constant 0 : i32
    %c0_i32_0 = arith.constant 0 : i32
    %c0_i32_1 = arith.constant 0 : i32
    return %arg0, %c0_i32, %c0_i32_0 : i32, i32, i32
  }
  func.func @transform_1(%arg0: i32) -> (i32, i32, i32) {
    %c0_i32 = arith.constant 0 : i32
    %c0_i32_0 = arith.constant 0 : i32
    %c0_i32_1 = arith.constant 0 : i32
    return %arg0, %c0_i32, %c0_i32_0 : i32, i32, i32
  }
  func.func @transform_2(%arg0: i32) -> (i32, i32, i32) {
    %c0_i32 = arith.constant 0 : i32
    %c0_i32_0 = arith.constant 0 : i32
    %c0_i32_1 = arith.constant 0 : i32
    return %arg0, %c0_i32, %c0_i32_0 : i32, i32, i32
  }
  func.func @transform_3(%arg0: i32) -> (i32, i32, i32) {
    %c0_i32 = arith.constant 0 : i32
    %c0_i32_0 = arith.constant 0 : i32
    %c0_i32_1 = arith.constant 0 : i32
    return %arg0, %c0_i32, %c0_i32_0 : i32, i32, i32
  }
}

module attributes {stable_mosaic.version = 14 : i64} {
  func.func @_tk2_body(%arg0: i32, %arg1: i32, %arg2: memref<1x96x2048xf32, #tpu.memory_space<vmem>>, %arg3: memref<1x1x1x2048xf32, #tpu.memory_space<vmem>>, %arg4: memref<1x1x1x2048xf32, #tpu.memory_space<vmem>>, %arg5: memref<1x96x1xf32, #tpu.memory_space<vmem>>, %arg6: memref<1x96x1xf32, #tpu.memory_space<vmem>>) attributes {dimension_semantics = [#tpu.dimension_semantics<arbitrary>, #tpu.dimension_semantics<arbitrary>], iteration_bounds = array<i64: 8, 8>, scalar_prefetch = 0 : i64, scratch_operands = 0 : i64, tpu.core_type = #tpu.core_type<tc>, window_params = [{transform_indices = @transform_0, window_bounds = array<i64: 1, 96, 2048>}, {transform_indices = @transform_1, window_bounds = array<i64: 1, 1, 1, 2048>}, {transform_indices = @transform_2, window_bounds = array<i64: 1, 1, 1, 2048>}, {transform_indices = @transform_3, window_bounds = array<i64: 1, 96, 1>}, {transform_indices = @transform_4, window_bounds = array<i64: 1, 96, 1>}]} {
    %get3A = arith.constant 0 : index
    %get3A_0 = arith.constant 0 : index
    %get3A_1 = arith.constant 0 : index
    %get3A_2 = vector.load %arg2[%get3A, %get3A_0, %get3A_1] : memref<1x96x2048xf32, #tpu.memory_space<vmem>>, vector<1x96x2048xf32>
    %get3A_3 = vector.shape_cast %get3A_2 : vector<1x96x2048xf32> to vector<96x2048xf32>
    %get3A_4 = arith.constant 0 : index
    %get3A_5 = arith.constant 0 : index
    %get3A_6 = arith.constant 0 : index
    %get3A_7 = arith.constant 0 : index
    %get3A_8 = vector.load %arg3[%get3A_4, %get3A_5, %get3A_6, %get3A_7] : memref<1x1x1x2048xf32, #tpu.memory_space<vmem>>, vector<1x1x1x2048xf32>
    %get3A_9 = vector.shape_cast %get3A_8 : vector<1x1x1x2048xf32> to vector<1x2048xf32>
    %get3A_10 = arith.constant 0 : index
    %get3A_11 = arith.constant 0 : index
    %get3A_12 = arith.constant 0 : index
    %get3A_13 = arith.constant 0 : index
    %get3A_14 = vector.load %arg4[%get3A_10, %get3A_11, %get3A_12, %get3A_13] : memref<1x1x1x2048xf32, #tpu.memory_space<vmem>>, vector<1x1x1x2048xf32>
    %get3A_15 = vector.shape_cast %get3A_14 : vector<1x1x1x2048xf32> to vector<1x2048xf32>
    %mul3A = vector.broadcast %get3A_9 : vector<1x2048xf32> to vector<96x2048xf32>
    %mul3A_16 = arith.mulf %get3A_3, %mul3A : vector<96x2048xf32>
    %reduce_sum3A = arith.constant dense<0.000000e+00> : vector<96xf32>
    %reduce_sum3A_17 = vector.multi_reduction <add>, %mul3A_16, %reduce_sum3A [1] : vector<96x2048xf32> to vector<96xf32>
    %broadcast_in_dim3A = vector.shape_cast %reduce_sum3A_17 : vector<96xf32> to vector<96x1xf32>
    %broadcast_in_dim3A_18 = vector.shape_cast %broadcast_in_dim3A : vector<96x1xf32> to vector<1x96x1xf32>
    %mul3A_19 = vector.broadcast %get3A_15 : vector<1x2048xf32> to vector<96x2048xf32>
    %mul3A_20 = arith.mulf %get3A_3, %mul3A_19 : vector<96x2048xf32>
    %reduce_sum3A_21 = arith.constant dense<0.000000e+00> : vector<96xf32>
    %reduce_sum3A_22 = vector.multi_reduction <add>, %mul3A_20, %reduce_sum3A_21 [1] : vector<96x2048xf32> to vector<96xf32>
    %broadcast_in_dim3A_23 = vector.shape_cast %reduce_sum3A_22 : vector<96xf32> to vector<96x1xf32>
    %broadcast_in_dim3A_24 = vector.shape_cast %broadcast_in_dim3A_23 : vector<96x1xf32> to vector<1x96x1xf32>
    %eq3A = arith.constant 0 : i32
    %eq3A_25 = arith.cmpi eq, %arg1, %eq3A : i32
    %convert_element_type3A = arith.extui %eq3A_25 : i1 to i32
    %cond3A = arith.constant 0 : i32
    %cond3A_26 = arith.cmpi ne, %convert_element_type3A, %cond3A : i32
    scf.if %cond3A_26 {
      %swap3A = arith.constant 0 : index
      %swap3A_31 = arith.constant 0 : index
      %swap3A_32 = arith.constant 0 : index
      %swap3A_33 = vector.load %arg5[%swap3A, %swap3A_31, %swap3A_32] : memref<1x96x1xf32, #tpu.memory_space<vmem>>, vector<1x96x1xf32>
      tpu.vector_store %arg5[%swap3A, %swap3A_31, %swap3A_32], %broadcast_in_dim3A_18 {strides = array<i32>} : memref<1x96x1xf32, #tpu.memory_space<vmem>>, vector<1x96x1xf32>,
      %swap3A_34 = arith.constant 0 : index
      %swap3A_35 = arith.constant 0 : index
      %swap3A_36 = arith.constant 0 : index
      %swap3A_37 = vector.load %arg6[%swap3A_34, %swap3A_35, %swap3A_36] : memref<1x96x1xf32, #tpu.memory_space<vmem>>, vector<1x96x1xf32>
      tpu.vector_store %arg6[%swap3A_34, %swap3A_35, %swap3A_36], %broadcast_in_dim3A_24 {strides = array<i32>} : memref<1x96x1xf32, #tpu.memory_space<vmem>>, vector<1x96x1xf32>,
    } else {
    }
    %ne3A = arith.constant 0 : i32
    %ne3A_27 = arith.cmpi ne, %arg1, %ne3A : i32
    %convert_element_type3A_28 = arith.extui %ne3A_27 : i1 to i32
    %cond3A_29 = arith.constant 0 : i32
    %cond3A_30 = arith.cmpi ne, %convert_element_type3A_28, %cond3A_29 : i32
    scf.if %cond3A_30 {
      %get3A_31 = arith.constant 0 : index
      %get3A_32 = arith.constant 0 : index
      %get3A_33 = arith.constant 0 : index
      %get3A_34 = vector.load %arg5[%get3A_31, %get3A_32, %get3A_33] : memref<1x96x1xf32, #tpu.memory_space<vmem>>, vector<1x96x1xf32>
      %add3A = arith.addf %get3A_34, %broadcast_in_dim3A_18 : vector<1x96x1xf32>
      %swap3A = arith.constant 0 : index
      %swap3A_35 = arith.constant 0 : index
      %swap3A_36 = arith.constant 0 : index
      %swap3A_37 = vector.load %arg5[%swap3A, %swap3A_35, %swap3A_36] : memref<1x96x1xf32, #tpu.memory_space<vmem>>, vector<1x96x1xf32>
      tpu.vector_store %arg5[%swap3A, %swap3A_35, %swap3A_36], %add3A {strides = array<i32>} : memref<1x96x1xf32, #tpu.memory_space<vmem>>, vector<1x96x1xf32>,
      %get3A_38 = arith.constant 0 : index
      %get3A_39 = arith.constant 0 : index
      %get3A_40 = arith.constant 0 : index
      %get3A_41 = vector.load %arg6[%get3A_38, %get3A_39, %get3A_40] : memref<1x96x1xf32, #tpu.memory_space<vmem>>, vector<1x96x1xf32>
      %add3A_42 = arith.addf %get3A_41, %broadcast_in_dim3A_24 : vector<1x96x1xf32>
      %swap3A_43 = arith.constant 0 : index
      %swap3A_44 = arith.constant 0 : index
      %swap3A_45 = arith.constant 0 : index
      %swap3A_46 = vector.load %arg6[%swap3A_43, %swap3A_44, %swap3A_45] : memref<1x96x1xf32, #tpu.memory_space<vmem>>, vector<1x96x1xf32>
      tpu.vector_store %arg6[%swap3A_43, %swap3A_44, %swap3A_45], %add3A_42 {strides = array<i32>} : memref<1x96x1xf32, #tpu.memory_space<vmem>>, vector<1x96x1xf32>,
    } else {
    }
    return
  }
  func.func @transform_0(%arg0: i32, %arg1: i32) -> (i32, i32, i32) {
    %c0_i32 = arith.constant 0 : i32
    %c0_i32_0 = arith.constant 0 : i32
    return %arg0, %c0_i32, %arg1 : i32, i32, i32
  }
  func.func @transform_1(%arg0: i32, %arg1: i32) -> (i32, i32, i32, i32) {
    %c0_i32 = arith.constant 0 : i32
    %c0_i32_0 = arith.constant 0 : i32
    %c0_i32_1 = arith.constant 0 : i32
    return %arg0, %arg1, %c0_i32, %c0_i32_0 : i32, i32, i32, i32
  }
  func.func @transform_2(%arg0: i32, %arg1: i32) -> (i32, i32, i32, i32) {
    %c0_i32 = arith.constant 0 : i32
    %c0_i32_0 = arith.constant 0 : i32
    %c0_i32_1 = arith.constant 0 : i32
    return %arg0, %arg1, %c0_i32, %c0_i32_0 : i32, i32, i32, i32
  }
  func.func @transform_3(%arg0: i32, %arg1: i32) -> (i32, i32, i32) {
    %c0_i32 = arith.constant 0 : i32
    %c0_i32_0 = arith.constant 0 : i32
    %c0_i32_1 = arith.constant 0 : i32
    return %arg0, %c0_i32, %c0_i32_0 : i32, i32, i32
  }
  func.func @transform_4(%arg0: i32, %arg1: i32) -> (i32, i32, i32) {
    %c0_i32 = arith.constant 0 : i32
    %c0_i32_0 = arith.constant 0 : i32
    %c0_i32_1 = arith.constant 0 : i32
    return %arg0, %c0_i32, %c0_i32_0 : i32, i32, i32
  }
}

module attributes {stable_mosaic.version = 14 : i64} {
  func.func @_p2_body(%arg0: i32, %arg1: i32, %arg2: memref<1x96x1xf32, #tpu.memory_space<vmem>>, %arg3: memref<1x96x1xf32, #tpu.memory_space<vmem>>, %arg4: memref<1x96x2048xf32, #tpu.memory_space<vmem>>, %arg5: memref<1x1x1x2048xf32, #tpu.memory_space<vmem>>, %arg6: memref<1x1x1x2048xf32, #tpu.memory_space<vmem>>, %arg7: memref<1x8xf32, #tpu.memory_space<vmem>>) attributes {dimension_semantics = [#tpu.dimension_semantics<arbitrary>, #tpu.dimension_semantics<arbitrary>], iteration_bounds = array<i64: 8, 8>, scalar_prefetch = 0 : i64, scratch_operands = 0 : i64, tpu.core_type = #tpu.core_type<tc>, window_params = [{transform_indices = @transform_0, window_bounds = array<i64: 1, 96, 1>}, {transform_indices = @transform_1, window_bounds = array<i64: 1, 96, 1>}, {transform_indices = @transform_2, window_bounds = array<i64: 1, 96, 2048>}, {transform_indices = @transform_3, window_bounds = array<i64: 1, 1, 1, 2048>}, {transform_indices = @transform_4, window_bounds = array<i64: 1, 1, 1, 2048>}, {pipeline_mode = #tpu.pipeline_mode<synchronous>, transform_indices = @transform_5, window_bounds = array<i64: 1, 8>}]} {
    %get3A = arith.constant 0 : index
    %get3A_0 = arith.constant 0 : index
    %get3A_1 = arith.constant 0 : index
    %get3A_2 = vector.load %arg4[%get3A, %get3A_0, %get3A_1] : memref<1x96x2048xf32, #tpu.memory_space<vmem>>, vector<1x96x2048xf32>
    %get3A_3 = vector.shape_cast %get3A_2 : vector<1x96x2048xf32> to vector<96x2048xf32>
    %get3A_4 = arith.constant 0 : index
    %get3A_5 = arith.constant 0 : index
    %get3A_6 = arith.constant 0 : index
    %get3A_7 = vector.load %arg2[%get3A_4, %get3A_5, %get3A_6] : memref<1x96x1xf32, #tpu.memory_space<vmem>>, vector<1x96x1xf32>
    %get3A_8 = vector.shape_cast %get3A_7 : vector<1x96x1xf32> to vector<96x1xf32>
    %get3A_9 = arith.constant 0 : index
    %get3A_10 = arith.constant 0 : index
    %get3A_11 = arith.constant 0 : index
    %get3A_12 = vector.load %arg3[%get3A_9, %get3A_10, %get3A_11] : memref<1x96x1xf32, #tpu.memory_space<vmem>>, vector<1x96x1xf32>
    %get3A_13 = vector.shape_cast %get3A_12 : vector<1x96x1xf32> to vector<96x1xf32>
    %mul3A = arith.mulf %get3A_3, %get3A_3 : vector<96x2048xf32>
    %reduce_sum3A = arith.constant dense<0.000000e+00> : vector<2048xf32>
    %reduce_sum3A_14 = vector.multi_reduction <add>, %mul3A, %reduce_sum3A [0] : vector<96x2048xf32> to vector<2048xf32>
    %broadcast_in_dim3A = vector.shape_cast %reduce_sum3A_14 : vector<2048xf32> to vector<1x2048xf32>
    %sqrt3A = math.sqrt %broadcast_in_dim3A : vector<1x2048xf32>
    %max3A = arith.constant 9.99999993E-9 : f32
    %max3A_15 = vector.broadcast %max3A : f32 to vector<1x2048xf32>
    %max3A_16 = arith.maximumf %sqrt3A, %max3A_15 : vector<1x2048xf32>
    %mul3A_17 = arith.mulf %get3A_8, %get3A_8 : vector<96x1xf32>
    %reduce_sum3A_18 = vector.shape_cast %mul3A_17 : vector<96x1xf32> to vector<1x96x1xf32>
    %reduce_sum3A_19 = arith.constant dense<0.000000e+00> : vector<1xf32>
    %reduce_sum3A_20 = vector.multi_reduction <add>, %reduce_sum3A_18, %reduce_sum3A_19 [1, 2] : vector<1x96x1xf32> to vector<1xf32>
    %reduce_sum3A_21 = vector.shape_cast %reduce_sum3A_20 : vector<1xf32> to vector<1x1x1xf32>
    %reduce_sum3A_22 = vector.extract %reduce_sum3A_21[0, 0, 0] : f32 from vector<1x1x1xf32>
    %sqrt3A_23 = math.sqrt %reduce_sum3A_22 : f32
    %max3A_24 = arith.constant 9.99999993E-9 : f32
    %max3A_25 = arith.maximumf %sqrt3A_23, %max3A_24 : f32
    %mul3A_26 = arith.mulf %get3A_13, %get3A_13 : vector<96x1xf32>
    %reduce_sum3A_27 = vector.shape_cast %mul3A_26 : vector<96x1xf32> to vector<1x96x1xf32>
    %reduce_sum3A_28 = arith.constant dense<0.000000e+00> : vector<1xf32>
    %reduce_sum3A_29 = vector.multi_reduction <add>, %reduce_sum3A_27, %reduce_sum3A_28 [1, 2] : vector<1x96x1xf32> to vector<1xf32>
    %reduce_sum3A_30 = vector.shape_cast %reduce_sum3A_29 : vector<1xf32> to vector<1x1x1xf32>
    %reduce_sum3A_31 = vector.extract %reduce_sum3A_30[0, 0, 0] : f32 from vector<1x1x1xf32>
    %sqrt3A_32 = math.sqrt %reduce_sum3A_31 : f32
    %max3A_33 = arith.constant 9.99999993E-9 : f32
    %max3A_34 = arith.maximumf %sqrt3A_32, %max3A_33 : f32
    %mul3A_35 = vector.broadcast %get3A_8 : vector<96x1xf32> to vector<96x2048xf32>
    %mul3A_36 = arith.mulf %get3A_3, %mul3A_35 : vector<96x2048xf32>
    %reduce_sum3A_37 = arith.constant dense<0.000000e+00> : vector<2048xf32>
    %reduce_sum3A_38 = vector.multi_reduction <add>, %mul3A_36, %reduce_sum3A_37 [0] : vector<96x2048xf32> to vector<2048xf32>
    %broadcast_in_dim3A_39 = vector.shape_cast %reduce_sum3A_38 : vector<2048xf32> to vector<1x2048xf32>
    %mul3A_40 = vector.broadcast %max3A_25 : f32 to vector<1x2048xf32>
    %mul3A_41 = arith.mulf %max3A_16, %mul3A_40 : vector<1x2048xf32>
    %div3A = arith.divf %broadcast_in_dim3A_39, %mul3A_41 : vector<1x2048xf32>
    %mul3A_42 = vector.broadcast %get3A_13 : vector<96x1xf32> to vector<96x2048xf32>
    %mul3A_43 = arith.mulf %get3A_3, %mul3A_42 : vector<96x2048xf32>
    %reduce_sum3A_44 = arith.constant dense<0.000000e+00> : vector<2048xf32>
    %reduce_sum3A_45 = vector.multi_reduction <add>, %mul3A_43, %reduce_sum3A_44 [0] : vector<96x2048xf32> to vector<2048xf32>
    %broadcast_in_dim3A_46 = vector.shape_cast %reduce_sum3A_45 : vector<2048xf32> to vector<1x2048xf32>
    %mul3A_47 = vector.broadcast %max3A_34 : f32 to vector<1x2048xf32>
    %mul3A_48 = arith.mulf %max3A_16, %mul3A_47 : vector<1x2048xf32>
    %div3A_49 = arith.divf %broadcast_in_dim3A_46, %mul3A_48 : vector<1x2048xf32>
    %swap3A = arith.constant 0 : index
    %swap3A_50 = arith.constant 0 : index
    %swap3A_51 = arith.constant 0 : index
    %swap3A_52 = arith.constant 0 : index
    %swap3A_53 = vector.load %arg5[%swap3A, %swap3A_50, %swap3A_51, %swap3A_52] : memref<1x1x1x2048xf32, #tpu.memory_space<vmem>>, vector<1x1x1x2048xf32>
    %swap3A_54 = vector.shape_cast %swap3A_53 : vector<1x1x1x2048xf32> to vector<1x2048xf32>
    %swap3A_55 = vector.shape_cast %div3A : vector<1x2048xf32> to vector<1x1x1x2048xf32>
    tpu.vector_store %arg5[%swap3A, %swap3A_50, %swap3A_51, %swap3A_52], %swap3A_55 {strides = array<i32>} : memref<1x1x1x2048xf32, #tpu.memory_space<vmem>>, vector<1x1x1x2048xf32>,
    %swap3A_56 = arith.constant 0 : index
    %swap3A_57 = arith.constant 0 : index
    %swap3A_58 = arith.constant 0 : index
    %swap3A_59 = arith.constant 0 : index
    %swap3A_60 = vector.load %arg6[%swap3A_56, %swap3A_57, %swap3A_58, %swap3A_59] : memref<1x1x1x2048xf32, #tpu.memory_space<vmem>>, vector<1x1x1x2048xf32>
    %swap3A_61 = vector.shape_cast %swap3A_60 : vector<1x1x1x2048xf32> to vector<1x2048xf32>
    %swap3A_62 = vector.shape_cast %div3A_49 : vector<1x2048xf32> to vector<1x1x1x2048xf32>
    tpu.vector_store %arg6[%swap3A_56, %swap3A_57, %swap3A_58, %swap3A_59], %swap3A_62 {strides = array<i32>} : memref<1x1x1x2048xf32, #tpu.memory_space<vmem>>, vector<1x1x1x2048xf32>,
    %iota3A = tpu.iota {dimensions = array<i32: 1>} : vector<1x8xi32>
    %eq3A = arith.constant 0 : i32
    %eq3A_63 = vector.broadcast %eq3A : i32 to vector<1x8xi32>
    %eq3A_64 = arith.cmpi eq, %iota3A, %eq3A_63 : vector<1x8xi32>
    %reduce_min3A = vector.shape_cast %div3A : vector<1x2048xf32> to vector<1x1x2048xf32>
    %reduce_min3A_65 = arith.constant dense<0x7F800000> : vector<1xf32>
    %reduce_min3A_66 = vector.multi_reduction <minimumf>, %reduce_min3A, %reduce_min3A_65 [1, 2] : vector<1x1x2048xf32> to vector<1xf32>
    %reduce_min3A_67 = vector.shape_cast %reduce_min3A_66 : vector<1xf32> to vector<1x1x1xf32>
    %reduce_min3A_68 = vector.extract %reduce_min3A_67[0, 0, 0] : f32 from vector<1x1x1xf32>
    %eq3A_69 = arith.constant 1 : i32
    %eq3A_70 = vector.broadcast %eq3A_69 : i32 to vector<1x8xi32>
    %eq3A_71 = arith.cmpi eq, %iota3A, %eq3A_70 : vector<1x8xi32>
    %reduce_max3A = vector.shape_cast %div3A : vector<1x2048xf32> to vector<1x1x2048xf32>
    %reduce_max3A_72 = arith.constant dense<0xFF800000> : vector<1xf32>
    %reduce_max3A_73 = vector.multi_reduction <maximumf>, %reduce_max3A, %reduce_max3A_72 [1, 2] : vector<1x1x2048xf32> to vector<1xf32>
    %reduce_max3A_74 = vector.shape_cast %reduce_max3A_73 : vector<1xf32> to vector<1x1x1xf32>
    %reduce_max3A_75 = vector.extract %reduce_max3A_74[0, 0, 0] : f32 from vector<1x1x1xf32>
    %eq3A_76 = arith.constant 2 : i32
    %eq3A_77 = vector.broadcast %eq3A_76 : i32 to vector<1x8xi32>
    %eq3A_78 = arith.cmpi eq, %iota3A, %eq3A_77 : vector<1x8xi32>
    %reduce_min3A_79 = vector.shape_cast %div3A_49 : vector<1x2048xf32> to vector<1x1x2048xf32>
    %reduce_min3A_80 = arith.constant dense<0x7F800000> : vector<1xf32>
    %reduce_min3A_81 = vector.multi_reduction <minimumf>, %reduce_min3A_79, %reduce_min3A_80 [1, 2] : vector<1x1x2048xf32> to vector<1xf32>
    %reduce_min3A_82 = vector.shape_cast %reduce_min3A_81 : vector<1xf32> to vector<1x1x1xf32>
    %reduce_min3A_83 = vector.extract %reduce_min3A_82[0, 0, 0] : f32 from vector<1x1x1xf32>
    %eq3A_84 = arith.constant 3 : i32
    %eq3A_85 = vector.broadcast %eq3A_84 : i32 to vector<1x8xi32>
    %eq3A_86 = arith.cmpi eq, %iota3A, %eq3A_85 : vector<1x8xi32>
    %reduce_max3A_87 = vector.shape_cast %div3A_49 : vector<1x2048xf32> to vector<1x1x2048xf32>
    %reduce_max3A_88 = arith.constant dense<0xFF800000> : vector<1xf32>
    %reduce_max3A_89 = vector.multi_reduction <maximumf>, %reduce_max3A_87, %reduce_max3A_88 [1, 2] : vector<1x1x2048xf32> to vector<1xf32>
    %reduce_max3A_90 = vector.shape_cast %reduce_max3A_89 : vector<1xf32> to vector<1x1x1xf32>
    %reduce_max3A_91 = vector.extract %reduce_max3A_90[0, 0, 0] : f32 from vector<1x1x1xf32>
    %jit3A = arith.constant 0.000000e+00 : f32
    %broadcast_in_dim3A_92 = vector.broadcast %reduce_max3A_91 : f32 to vector<1x8xf32>
    %broadcast_in_dim3A_93 = vector.broadcast %jit3A : f32 to vector<1x8xf32>
    %select_n3A = arith.select %eq3A_86, %broadcast_in_dim3A_92, %broadcast_in_dim3A_93 : vector<1x8xi1>, vector<1x8xf32>
    %broadcast_in_dim3A_94 = vector.broadcast %reduce_min3A_83 : f32 to vector<1x8xf32>
    %select_n3A_95 = arith.select %eq3A_78, %broadcast_in_dim3A_94, %select_n3A : vector<1x8xi1>, vector<1x8xf32>
    %broadcast_in_dim3A_96 = vector.broadcast %reduce_max3A_75 : f32 to vector<1x8xf32>
    %select_n3A_97 = arith.select %eq3A_71, %broadcast_in_dim3A_96, %select_n3A_95 : vector<1x8xi1>, vector<1x8xf32>
    %broadcast_in_dim3A_98 = vector.broadcast %reduce_min3A_68 : f32 to vector<1x8xf32>
    %select_n3A_99 = arith.select %eq3A_64, %broadcast_in_dim3A_98, %select_n3A_97 : vector<1x8xi1>, vector<1x8xf32>
    %eq3A_100 = arith.constant 0 : i32
    %eq3A_101 = arith.cmpi eq, %arg0, %eq3A_100 : i32
    %eq3A_102 = arith.constant 0 : i32
    %eq3A_103 = arith.cmpi eq, %arg1, %eq3A_102 : i32
    %and3A = arith.andi %eq3A_101, %eq3A_103 : i1
    %convert_element_type3A = arith.extui %and3A : i1 to i32
    %cond3A = arith.constant 0 : i32
    %cond3A_104 = arith.cmpi ne, %convert_element_type3A, %cond3A : i32
    scf.if %cond3A_104 {
      %swap3A_111 = arith.constant 0 : index
      %swap3A_112 = arith.constant 0 : index
      %swap3A_113 = vector.load %arg7[%swap3A_111, %swap3A_112] : memref<1x8xf32, #tpu.memory_space<vmem>>, vector<1x8xf32>
      tpu.vector_store %arg7[%swap3A_111, %swap3A_112], %select_n3A_99 {strides = array<i32>} : memref<1x8xf32, #tpu.memory_space<vmem>>, vector<1x8xf32>,
    } else {
    }
    %ne3A = arith.constant 0 : i32
    %ne3A_105 = arith.cmpi ne, %arg0, %ne3A : i32
    %ne3A_106 = arith.constant 0 : i32
    %ne3A_107 = arith.cmpi ne, %arg1, %ne3A_106 : i32
    %or3A = arith.ori %ne3A_105, %ne3A_107 : i1
    %convert_element_type3A_108 = arith.extui %or3A : i1 to i32
    %cond3A_109 = arith.constant 0 : i32
    %cond3A_110 = arith.cmpi ne, %convert_element_type3A_108, %cond3A_109 : i32
    scf.if %cond3A_110 {
      %get3A_111 = arith.constant 0 : index
      %get3A_112 = arith.constant 0 : index
      %get3A_113 = vector.load %arg7[%get3A_111, %get3A_112] : memref<1x8xf32, #tpu.memory_space<vmem>>, vector<1x8xf32>
      %eq3A_114 = arith.constant 0 : i32
      %eq3A_115 = vector.broadcast %eq3A_114 : i32 to vector<1x8xi32>
      %eq3A_116 = arith.cmpi eq, %iota3A, %eq3A_115 : vector<1x8xi32>
      %eq3A_117 = arith.constant 2 : i32
      %eq3A_118 = vector.broadcast %eq3A_117 : i32 to vector<1x8xi32>
      %eq3A_119 = arith.cmpi eq, %iota3A, %eq3A_118 : vector<1x8xi32>
      %or3A_120 = arith.ori %eq3A_116, %eq3A_119 : vector<1x8xi1>
      %min3A = arith.minimumf %get3A_113, %select_n3A_99 : vector<1x8xf32>
      %max3A_121 = arith.maximumf %get3A_113, %select_n3A_99 : vector<1x8xf32>
      %select_n3A_122 = arith.select %or3A_120, %min3A, %max3A_121 : vector<1x8xi1>, vector<1x8xf32>
      %swap3A_123 = arith.constant 0 : index
      %swap3A_124 = arith.constant 0 : index
      %swap3A_125 = vector.load %arg7[%swap3A_123, %swap3A_124] : memref<1x8xf32, #tpu.memory_space<vmem>>, vector<1x8xf32>
      tpu.vector_store %arg7[%swap3A_123, %swap3A_124], %select_n3A_122 {strides = array<i32>} : memref<1x8xf32, #tpu.memory_space<vmem>>, vector<1x8xf32>,
    } else {
    }
    return
  }
  func.func @transform_0(%arg0: i32, %arg1: i32) -> (i32, i32, i32) {
    %c0_i32 = arith.constant 0 : i32
    %c0_i32_0 = arith.constant 0 : i32
    %c0_i32_1 = arith.constant 0 : i32
    return %arg0, %c0_i32, %c0_i32_0 : i32, i32, i32
  }
  func.func @transform_1(%arg0: i32, %arg1: i32) -> (i32, i32, i32) {
    %c0_i32 = arith.constant 0 : i32
    %c0_i32_0 = arith.constant 0 : i32
    %c0_i32_1 = arith.constant 0 : i32
    return %arg0, %c0_i32, %c0_i32_0 : i32, i32, i32
  }
  func.func @transform_2(%arg0: i32, %arg1: i32) -> (i32, i32, i32) {
    %c0_i32 = arith.constant 0 : i32
    %c0_i32_0 = arith.constant 0 : i32
    return %arg0, %c0_i32, %arg1 : i32, i32, i32
  }
  func.func @transform_3(%arg0: i32, %arg1: i32) -> (i32, i32, i32, i32) {
    %c0_i32 = arith.constant 0 : i32
    %c0_i32_0 = arith.constant 0 : i32
    %c0_i32_1 = arith.constant 0 : i32
    return %arg0, %arg1, %c0_i32, %c0_i32_0 : i32, i32, i32, i32
  }
  func.func @transform_4(%arg0: i32, %arg1: i32) -> (i32, i32, i32, i32) {
    %c0_i32 = arith.constant 0 : i32
    %c0_i32_0 = arith.constant 0 : i32
    %c0_i32_1 = arith.constant 0 : i32
    return %arg0, %arg1, %c0_i32, %c0_i32_0 : i32, i32, i32, i32
  }
  func.func @transform_5(%arg0: i32, %arg1: i32) -> (i32, i32) {
    %c0_i32 = arith.constant 0 : i32
    %c0_i32_0 = arith.constant 0 : i32
    %c0_i32_1 = arith.constant 0 : i32
    return %c0_i32, %c0_i32_0 : i32, i32
  }
}

module attributes {stable_mosaic.version = 14 : i64} {
  func.func @_p3_body(%arg0: i32, %arg1: i32, %arg2: memref<8xf32, #tpu.memory_space<smem>>, %arg3: memref<1x96x2048xf32, #tpu.memory_space<vmem>>, %arg4: memref<1x1x1x2048xf32, #tpu.memory_space<vmem>>, %arg5: memref<1x1x1x2048xf32, #tpu.memory_space<vmem>>, %arg6: memref<1x96x2048xf32, #tpu.memory_space<vmem>>) attributes {dimension_semantics = [#tpu.dimension_semantics<arbitrary>, #tpu.dimension_semantics<arbitrary>], iteration_bounds = array<i64: 8, 8>, scalar_prefetch = 0 : i64, scratch_operands = 0 : i64, tpu.core_type = #tpu.core_type<tc>, window_params = [{transform_indices = @transform_0, window_bounds = array<i64: 8>}, {transform_indices = @transform_1, window_bounds = array<i64: 1, 96, 2048>}, {transform_indices = @transform_2, window_bounds = array<i64: 1, 1, 1, 2048>}, {transform_indices = @transform_3, window_bounds = array<i64: 1, 1, 1, 2048>}, {transform_indices = @transform_4, window_bounds = array<i64: 1, 96, 2048>}]} {
    %get3A = arith.constant 0 : index
    %get3A_0 = arith.constant 0 : index
    %get3A_1 = arith.constant 0 : index
    %get3A_2 = vector.load %arg3[%get3A, %get3A_0, %get3A_1] : memref<1x96x2048xf32, #tpu.memory_space<vmem>>, vector<1x96x2048xf32>
    %get3A_3 = vector.shape_cast %get3A_2 : vector<1x96x2048xf32> to vector<96x2048xf32>
    %get3A_4 = arith.constant 0 : index
    %get3A_5 = arith.constant 0 : index
    %get3A_6 = arith.constant 0 : index
    %get3A_7 = arith.constant 0 : index
    %get3A_8 = vector.load %arg4[%get3A_4, %get3A_5, %get3A_6, %get3A_7] : memref<1x1x1x2048xf32, #tpu.memory_space<vmem>>, vector<1x1x1x2048xf32>
    %get3A_9 = vector.shape_cast %get3A_8 : vector<1x1x1x2048xf32> to vector<1x2048xf32>
    %get3A_10 = arith.constant 0 : index
    %get3A_11 = arith.constant 0 : index
    %get3A_12 = arith.constant 0 : index
    %get3A_13 = arith.constant 0 : index
    %get3A_14 = vector.load %arg5[%get3A_10, %get3A_11, %get3A_12, %get3A_13] : memref<1x1x1x2048xf32, #tpu.memory_space<vmem>>, vector<1x1x1x2048xf32>
    %get3A_15 = vector.shape_cast %get3A_14 : vector<1x1x1x2048xf32> to vector<1x2048xf32>
    %get3A_16 = arith.constant 0 : index
    %get3A_17 = memref.load %arg2[%get3A_16] : memref<8xf32, #tpu.memory_space<smem>>
    %sub3A = vector.broadcast %get3A_17 : f32 to vector<1x2048xf32>
    %sub3A_18 = arith.subf %get3A_9, %sub3A : vector<1x2048xf32>
    %get3A_19 = arith.constant 1 : index
    %get3A_20 = memref.load %arg2[%get3A_19] : memref<8xf32, #tpu.memory_space<smem>>
    %get3A_21 = arith.constant 0 : index
    %get3A_22 = memref.load %arg2[%get3A_21] : memref<8xf32, #tpu.memory_space<smem>>
    %sub3A_23 = arith.subf %get3A_20, %get3A_22 : f32
    %div3A = vector.broadcast %sub3A_23 : f32 to vector<1x2048xf32>
    %div3A_24 = arith.divf %sub3A_18, %div3A : vector<1x2048xf32>
    %get3A_25 = arith.constant 2 : index
    %get3A_26 = memref.load %arg2[%get3A_25] : memref<8xf32, #tpu.memory_space<smem>>
    %sub3A_27 = vector.broadcast %get3A_26 : f32 to vector<1x2048xf32>
    %sub3A_28 = arith.subf %get3A_15, %sub3A_27 : vector<1x2048xf32>
    %get3A_29 = arith.constant 3 : index
    %get3A_30 = memref.load %arg2[%get3A_29] : memref<8xf32, #tpu.memory_space<smem>>
    %get3A_31 = arith.constant 2 : index
    %get3A_32 = memref.load %arg2[%get3A_31] : memref<8xf32, #tpu.memory_space<smem>>
    %sub3A_33 = arith.subf %get3A_30, %get3A_32 : f32
    %div3A_34 = vector.broadcast %sub3A_33 : f32 to vector<1x2048xf32>
    %div3A_35 = arith.divf %sub3A_28, %div3A_34 : vector<1x2048xf32>
    %sub3A_36 = arith.constant 1.000000e+00 : f32
    %sub3A_37 = vector.broadcast %sub3A_36 : f32 to vector<1x2048xf32>
    %sub3A_38 = arith.subf %sub3A_37, %div3A_35 : vector<1x2048xf32>
    %add3A = arith.addf %div3A_24, %sub3A_38 : vector<1x2048xf32>
    %mul3A = vector.broadcast %add3A : vector<1x2048xf32> to vector<96x2048xf32>
    %mul3A_39 = arith.mulf %get3A_3, %mul3A : vector<96x2048xf32>
    %swap3A = arith.constant 0 : index
    %swap3A_40 = arith.constant 0 : index
    %swap3A_41 = arith.constant 0 : index
    %swap3A_42 = vector.load %arg6[%swap3A, %swap3A_40, %swap3A_41] : memref<1x96x2048xf32, #tpu.memory_space<vmem>>, vector<1x96x2048xf32>
    %swap3A_43 = vector.shape_cast %swap3A_42 : vector<1x96x2048xf32> to vector<96x2048xf32>
    %swap3A_44 = vector.shape_cast %mul3A_39 : vector<96x2048xf32> to vector<1x96x2048xf32>
    tpu.vector_store %arg6[%swap3A, %swap3A_40, %swap3A_41], %swap3A_44 {strides = array<i32>} : memref<1x96x2048xf32, #tpu.memory_space<vmem>>, vector<1x96x2048xf32>,
    return
  }
  func.func @transform_0(%arg0: i32, %arg1: i32) -> i32 {
    %c0_i32 = arith.constant 0 : i32
    %c0_i32_0 = arith.constant 0 : i32
    return %c0_i32 : i32
  }
  func.func @transform_1(%arg0: i32, %arg1: i32) -> (i32, i32, i32) {
    %c0_i32 = arith.constant 0 : i32
    %c0_i32_0 = arith.constant 0 : i32
    return %arg0, %c0_i32, %arg1 : i32, i32, i32
  }
  func.func @transform_2(%arg0: i32, %arg1: i32) -> (i32, i32, i32, i32) {
    %c0_i32 = arith.constant 0 : i32
    %c0_i32_0 = arith.constant 0 : i32
    %c0_i32_1 = arith.constant 0 : i32
    return %arg0, %arg1, %c0_i32, %c0_i32_0 : i32, i32, i32, i32
  }
  func.func @transform_3(%arg0: i32, %arg1: i32) -> (i32, i32, i32, i32) {
    %c0_i32 = arith.constant 0 : i32
    %c0_i32_0 = arith.constant 0 : i32
    %c0_i32_1 = arith.constant 0 : i32
    return %arg0, %arg1, %c0_i32, %c0_i32_0 : i32, i32, i32, i32
  }
  func.func @transform_4(%arg0: i32, %arg1: i32) -> (i32, i32, i32) {
    %c0_i32 = arith.constant 0 : i32
    %c0_i32_0 = arith.constant 0 : i32
    return %arg0, %c0_i32, %arg1 : i32, i32, i32
  }
}

</mosaic_0001>

<sc_bundles>
// kernel: sparse-core-data-format-call.cloned.1.call-start
scs
called_computation_lowered:
.L_overlay_start_0:
0x0: {  	s2 =	sld [smem:$0x3FD9]  }
0x1: {  	s3 =	sld [smem:$0x3FFE];
	_ =	sdelay $0x1  }
0x2: {  	s1 =	srdreg.scid  }
0x3: {  	s0 =	sand.u32 $0x1, s1  }
0x4: {  	s15 =	sshll.u32 s0, $0xA;
	s2 =	sadd.s32 s3, s2  }
0x5: {  	s2 =	sadd.s32 s2, s15  }
0x6: {  	[smem:$0x3FC4] =	sst s2  }
0x7: {  	_ = 	snop  }
0x8: {  	s2 =	sld [smem:$0x3FD0];
	_ =	sdelay $0x2  }
0x9: {  	s16 =	simm.s32 $0xA;
	s4 =	simm.s32 $0x10  }
0xa: {  	[smem:s4], [sflag:s16] =	dma.local [hbm:s2], $0x1  }
0xb: {  	_ =	swait.eq [sflag:s16], $0x1  }
0xc: {  	[sflag:s16] =	ssyncset.done $0x0  }
0xd: {  	[sflag:s16] =	ssyncadd.s32 $0xFFFFFFFF  }
0xe: {  	s17 =	sld [smem:$0x10];
	(tm) =	ssettm $0x1  }
0xf: {  	s18 =	sld [smem:$0x3FFB];
	_ =	sdelay $0x3  }
0x10: {  	_ =	strace s18  }
0x11: {  	s3 =	sld [smem:$0x3FFC];
	_ =	sdelay $0x3  }
0x12: {  	_ =	strace s3  }
0x13: {  	s3 =	sld [smem:$0x3FFD];
	_ =	sdelay $0x3  }
0x14: {  	_ =	strace s3  }
0x15: {  	_ =	strace $0x8FFFFFFF  }
0x16: {  	s19 =	sld [smem:$0x3FDB];
	_ =	sdelay $0x1  }
0x17: {  	s20 =	simm.s32 $_scs_section_size  }
0x18: {  	s5 =	simm.s32 $_size__tile_overlayer_lowered;
	s6 =	simm.s32 $_tile_overlayer_lowered  }
0x19: {  	s23 =	simm.s32 $0x1BFF;
	s22 =	sshll.u32 s6, $0x1;
	s3 =	sadd.s32 s20, s19  }
0x1a: {  	s7 =	simm.s32 $0x0;
	s21 =	sshll.u32 s5, $0x1;
	s5 =	sadd.s32 s22, s3  }
0x1b: {  	[timem:s7], [sflag:s23] =	dma.local [hbm:s5], s21  }
0x1c: {  	_ =	swait.ge [sflag:s23], s21  }
0x1d: {  	s4 =	ssub.s32 $0x0, s21;
	[sflag:s23] =	ssyncset.done $0x0  }
0x1e: {  	[sflag:s23] =	ssyncadd.s32 s4;
	_ =	sdelay $0x1  }
0x1f: {  	s24 =	simm.s32 $0x1B8B  }
0x20: {  	_ =	swait.ge [sflag:s24], $0x1  }
0x21: {  	[sflag:s24] =	ssyncset.done $0x0  }
0x22: {  	s26 =	simm.s32 $0x1B8E;
	s25 =	sld [smem:$0x3FFE];
	[sflag:s24] =	ssyncadd.s32 $0xFFFFFFFF  }
0x23: {  	s27 =	simm.s32 $execute0_lowered;
	[smem:$0x3FD2] =	sst s26  }
0x24: {  	s5 =	sshll.u32 s27, $0x1;
	_ =	strace $0x80000046;
	[dreg:$0x1] =	wrdreg $0xFFFFFFFF  }
0x25: {  	s28 =	simm.s32 $_size_execute0_lowered;
	s3 =	sadd.s32 s3, s5;
	[dreg:$0x0] =	wrdreg $0x0  }
0x26: {  	s5 =	sshll.u32 s28, $0x1;
	[dreg:$0x2] =	wrdreg s3  }
0x27: {  	[dreg:$0x3] =	wrdreg s5  }
0x28: {  	[dreg:$0x4] =	wrdreg $0xC0  }
0x29: {  	_ =	task [dreg:s7], $0x5FFFF  }
0x2a: {  	[dreg:$0x1] =	wrdreg $0xFFFFFFFF  }
0x2b: {  	[dreg:$0x0] =	wrdreg $0x60  }
0x2c: {  	[dreg:$0x2] =	wrdreg s25  }
0x2d: {  	[dreg:$0x3] =	wrdreg s17  }
0x2e: {  	[dreg:$0x4] =	wrdreg $0x9  }
0x2f: {  	_ =	task.clear_ibuf [dreg:s7], $0x5FFFF;
	_ =	strace $0x90000046  }
0x30: {  	s29 =	simm.s32 $0x9;
	_ =	strace $0x80000048  }
0x31: {  	_ =	swait.ge [sflag:s29], $0x1  }
0x32: {  	[sflag:s29] =	ssyncadd.s32 $0xFFFFFFFF  }
0x33: {  	_ =	strace $0x90000048  }
0x34: {  	_ =	sfence  }
0x35: {  	s30 =	sld [smem:$0x0];
	_ =	sdelay $0x2  }
0x36: {  	s31 =	sshll.u32 s1, $0xD;
	s1 =	sshrl.u32 s1, $0x2  }
0x37: {  	s3 =	sand.u32 $0x4000, s31;
	s1 =	sadd.s32 s1, s30  }
0x38: {  	s0 =	sor.u32 s3, s0;
	s1 =	sshll.u32 s1, $0x11  }
0x39: {  	s0 =	sor.u32 s1, s0  }
0x3a: {  	s0 =	sadd.s32 $0x8F2B, s0  }
0x3b: {  	[sflag:s0] =	ssyncadd.remote.s32 $0x1  }
0x3c: {  	_ =	sfence.sel $0xFFFF  }
0x3d: {  	[dreg:$0x0] =	wrdreg $0xFFFFFFFF;
	(pc) =	sbr.abs _section_cstart, $3  }
0x3e: {  	[dreg:$0x1] =	wrdreg $0xFFFFFFFF  }
0x3f: {  	_ =	task.clear_ibuf [dreg:s7], $0x2FFFF;
	_ =	strace $0x9FFFFFFF  }
0x40: {  	(tm) =	ssettm $0x7FFFFFFF  }
0x41: {  	_ =	shalt  }
tec
execute0_lowered:
.L_overlay_start_1:
0x0: {  	(tag) =	ssettag $0x1  }
0x1: {  	s2 =	rddreg [dreg:$0x0]  }
0x2: {  	s3 =	rddreg [dreg:$0x1]  }
0x3: {  	s0 =	rddreg [dreg:$0x2];
	_ =	strace $0x80000047  }
0x4: {  	s4 =	srdreg.scid;
	s1 =	stileid.u32;
	s6 =	simm.s32 $0x2  }
.Ltmp0:
0x5: {  	s11 =	simm.s32 $0x0;
	p0 =	por $0x0, $0x0;
	(pc) =	sbr.rel .LBB1_1-.Ltmp0, $4  }
0x6: {  	s7 =	simm.s32 $0x4000;
	s12 =	simm.s32 $0x0;
	s5 =	sshll.u32 s4, $0x4  }
0x7: {  	s9 =	simm.s32 $0x0;
	s4 =	simm.s32 $0x1;
	s5 =	sand.u32 $0x10, s5  }
0x8: {  	s8 =	simm.s32 $0x0;
	[sflag:s4] =	ssyncpa.u1 $0x0;
	s5 =	sor.u32 s1, s5  }
0x9: {  	[sflag:s6] =	ssyncpa.u1 $0x0;
	s6 =	simm.s32 $0x800;
	s10 =	smov.u32 s5  }
.LBB1_7:
0xa: {  	s13 =	sadd.s32 $0x10, s9  }
0xb: {  	s11 =	sadd.s32 $0x20, s10;
	s15 =	smov.u32 s10;
	p2 =	sgt.s32 s13, $0x7F  }
0xc: {  	p1 =	slt.u32 s8, $0x2;
	s15 =	smov.u32 @p2 s11  }
0xd: {  	s8 =	sadd.s32 $0x1, s8;
	s13 =	simm.s32 @p2 $0x0;
	p2 =	sgt.s32 s15, $0x5F  }
0xe: {  	s15 =	smov.u32 @p2 s5;
	p2 =	sne.s32 s8, $0x1A  }
.Ltmp1:
0xf: {  	_ = 	snop;
	(pc) =	sbr.rel @!p2 .LBB1_8-.Ltmp1, $4  }
0x10: {  	s14 =	simm.s32 @!p1 $0x2  }
0x11: {  	s12 =	smov.u32 s10;
	_ =	swait.ge @!p1 [sflag:s14], $0x4000  }
0x12: {  	p0 =	por !p0, !p0;
	s11 =	smov.u32 s9;
	[sflag:s14] =	ssyncset.done @!p1 $0x0  }
0x13: {  	s9 =	smov.u32 s13;
	[sflag:s14] =	ssyncadd.s32 @!p1 $0xFFFFC000;
	s10 =	smov.u32 s15  }
.LBB1_1:
0x14: {  	p1 =	sgt.u32 s8, $0x17  }
0x15: {  	s13 =	sxor.u32 @!p1 $0xFFFFFFFF, s8;
	s14 =	sshll.u32 @!p1 s10, $0xE  }
0x16: {  	s15 =	sshll.u32 @!p1 s9, $0x7;
	s13 =	sshll.u32 @!p1 s13, $0xE;
	s14 =	sadd.s32 @!p1 s2, s14  }
0x17: {  	s13 =	sand.u32 @!p1 $0x4000, s13;
	s14 =	sadd.s32 @!p1 s15, s14;
	s15 =	simm.s32 @!p1 $0x0  }
0x18: {  	[tilespmem:s13], [sflag:$0x1] =	stream.linear.gather @!p1 [hbm4b:s14+s15], $0x4000, $0x38;
	[tilespmem:$0x10000] =	vst v63  }
0x19: {  	p1 =	seq.s32 s8, $0x0  }
0x1a: {  	p2 =	seq.s32 @!p1 s8, $0x19  }
0x1b: {  	p1 =	por p1, p2  }
.Ltmp2:
0x1c: {  	_ = 	snop;
	(pc) =	sbr.rel @p1 .LBB1_7-.Ltmp2, $1  }
0x1d: {  	_ =	sdelay $0x3  }
0x1e: {  	s13 =	simm.s32 $0x1;
	_ =	swait.ge [sflag:s4], $0x4000;
	s16 =	sshll.u32 s8, $0xE  }
0x1f: {  	s13 =	simm.s32 @!p0 $0x0;
	[sflag:s4] =	ssyncset.done $0x0;
	s31 =	sand.u32 $0x4000, s16  }
0x20: {  	s16 =	simm.s32 $0x0;
	s14 =	sshll.u32 s13, $0xE;
	[sflag:s4] =	ssyncadd.s32 $0xFFFFC000  }
0x21: {  	s13 =	sor.u32 $0x8040, s14;
	s15 =	sor.u32 $0x40, s14;
	s14 =	sor.u32 $0x8000, s31  }
.LBB1_3:
0x22: {  	v0 =	vmov s15;
	_ =	sdelay $0x3  }
0x23: {  	s18 =	simm.s32 $0x0  }
0x24: {  	v6 =	vld.idx.msk [tilespmem:v0+s18+$0x30 ss:$0x1], $0xffff  }
0x25: {  	v7 =	vld.idx.msk [tilespmem:v0+s18+$0xFFFFFFC0 ss:$0x1], $0xffff  }
0x26: {  	v5 =	vld.idx.msk [tilespmem:v0+s18+$0xFFFFFFD0 ss:$0x1], $0xffff  }
0x27: {  	v4 =	vld.idx.msk [tilespmem:v0+s18+$0xFFFFFFE0 ss:$0x1], $0xffff  }
0x28: {  	v3 =	vld.idx.msk [tilespmem:v0+s18+$0xFFFFFFF0 ss:$0x1], $0xffff  }
0x29: {  	v1 =	vld.idx.msk [tilespmem:v0+s18+$0x0 ss:$0x1], $0xffff  }
0x2a: {  	v2 =	vld.idx.msk [tilespmem:v0+s18+$0x10 ss:$0x1], $0xffff;
	[tilespmem:s13+$0x30] =	vst v6  }
0x2b: {  	s17 =	simm.s32 $0x80;
	s19 =	simm.s32 $0x400;
	[tilespmem:s13+$0xFFFFFFC0] =	vst v7;
	v6 =	vld.idx.msk [tilespmem:v0+s18+$0x20 ss:$0x1], $0xffff;
	s18 =	smov.u32 s13  }
.LBB1_4:
0x2c: {  	p1 =	sne.s32 s19, $0xE00;
	v7 =	vld.idx.msk [tilespmem:v0+s17+$0x30 ss:$0x1], $0xffff;
	[tilespmem:s18+$0xFFFFFFD0] =	vst v5  }
0x2d: {  	v8 =	vld.idx.msk [tilespmem:v0+s17+$0xFFFFFFC0 ss:$0x1], $0xffff;
	[tilespmem:s18+$0xFFFFFFE0] =	vst v4  }
0x2e: {  	v5 =	vld.idx.msk [tilespmem:v0+s17+$0xFFFFFFD0 ss:$0x1], $0xffff;
	[tilespmem:s18+$0xFFFFFFF0] =	vst v3  }
.Ltmp3:
0x2f: {  	v4 =	vld.idx.msk [tilespmem:v0+s17+$0xFFFFFFE0 ss:$0x1], $0xffff;
	[tilespmem:s18+$0x0] =	vst v1;
	(pc) =	sbr.rel @p1 .LBB1_4-.Ltmp3, $4  }
0x30: {  	v3 =	vld.idx.msk [tilespmem:v0+s17+$0xFFFFFFF0 ss:$0x1], $0xffff;
	[tilespmem:s18+$0x10] =	vst v2  }
0x31: {  	v1 =	vld.idx.msk [tilespmem:v0+s17+$0x0 ss:$0x1], $0xffff;
	[tilespmem:s18+$0x20] =	vst v6;
	s18 =	sadd.s32 $0x800, s18  }
0x32: {  	v2 =	vld.idx.msk [tilespmem:v0+s17+$0x10 ss:$0x1], $0xffff;
	[tilespmem:s18+$0x30] =	vst v7  }
0x33: {  	[tilespmem:s18+$0xFFFFFFC0] =	vst v8;
	v6 =	vld.idx.msk [tilespmem:v0+s17+$0x20 ss:$0x1], $0xffff;
	s17 =	sshra.s32 s19, $0x2;
	s19 =	sadd.s32 $0x200, s19  }
0x34: {  	_ =	sdelay $0x2  }
0x35: {  	[tilespmem:s18+$0xFFFFFFD0] =	vst v5  }
0x36: {  	v56 =	vld.idx.msk [tilespmem:v0+s17+$0x30 ss:$0x1], $0xffff;
	[tilespmem:s18+$0xFFFFFFE0] =	vst v4  }
0x37: {  	v57 =	vld.idx.msk [tilespmem:v0+s17+$0xFFFFFFC0 ss:$0x1], $0xffff;
	[tilespmem:s18+$0xFFFFFFF0] =	vst v3  }
0x38: {  	v58 =	vld.idx.msk [tilespmem:v0+s17+$0xFFFFFFD0 ss:$0x1], $0xffff;
	[tilespmem:s18+$0x0] =	vst v1  }
0x39: {  	v59 =	vld.idx.msk [tilespmem:v0+s17+$0xFFFFFFE0 ss:$0x1], $0xffff;
	[tilespmem:s18+$0x10] =	vst v2  }
0x3a: {  	v60 =	vld.idx.msk [tilespmem:v0+s17+$0xFFFFFFF0 ss:$0x1], $0xffff;
	s31 =	sadd.s32 $0x800, s18;
	[tilespmem:s18+$0x20] =	vst v6  }
0x3b: {  	v61 =	vld.idx.msk [tilespmem:v0+s17+$0x0 ss:$0x1], $0xffff;
	[tilespmem:s31+$0x30] =	vst v56  }
0x3c: {  	v62 =	vld.idx.msk [tilespmem:v0+s17+$0x10 ss:$0x1], $0xffff;
	s16 =	sadd.s32 $0x1, s16;
	[tilespmem:s31+$0xFFFFFFC0] =	vst v57  }
0x3d: {  	v63 =	vld.idx.msk [tilespmem:v0+s17+$0x20 ss:$0x1], $0xffff;
	p1 =	sne.s32 s16, $0x10;
	[tilespmem:s31+$0xFFFFFFD0] =	vst v58  }
.Ltmp4:
0x3e: {  	[tilespmem:s31+$0xFFFFFFE0] =	vst v59;
	(pc) =	sbr.rel @p1 .LBB1_3-.Ltmp4, $4  }
0x3f: {  	[tilespmem:s31+$0xFFFFFFF0] =	vst v60  }
0x40: {  	[tilespmem:s31+$0x0] =	vst v61  }
0x41: {  	[tilespmem:s31+$0x10] =	vst v62  }
0x42: {  	s13 =	sadd.s32 $0x80, s13;
	s15 =	sadd.s32 $0x400, s15;
	[tilespmem:s31+$0x20] =	vst v63  }
.Ltmp5:
0x43: {  	(pc) =	sbr.rel .LBB1_7-.Ltmp5, $4  }
0x44: {  	s12 =	sshll.u32 s12, $0xE;
	s11 =	sshll.u32 s11, $0x4  }
0x45: {  	s11 =	sand.u32 $0x7F0, s11;
	s12 =	sadd.s32 s3, s12  }
0x46: {  	s11 =	sadd.s32 s11, s12  }
0x47: {  	[hbm4b:s11+s6] =	stream.strided.scatter [tilespmem:s14], [sflag:$0x2], $0x4000, s7, s6, $0x38;
	[tilespmem:$0x10000] =	vst v63  }
.LBB1_8:
0x48: {  	_ =	sfence.sel $0x180000  }
0x49: {  	s2 =	simm.s32 $0x1;
	[bflag:$0x0] =	sbarrier.arrive $0xFFFF  }
0x4a: {  	s31 =	simm.s32 $0x2;
	[sflag:s2] =	ssyncpa.u1 $0x1  }
0x4b: {  	[sflag:s31] =	ssyncpa.u1 $0x1  }
0x4c: {  	p0 =	sne.s32 s1, $0x0;
	_ =	strace $0x90000047  }
0x4d: {  	s0 =	sadd.s32 @!p0 $0x100000, s0;
	[bflag:$0x2] =	sbarrier.arrive $0xFFFF  }
0x4e: {  	[sflag:s0] =	ssyncadd.tile.s32 @!p0 $0x1;
	_ =	shalt  }
.Lfunc_end1:
_tile_overlayer_lowered:
.L_overlay_start_2:
0x4f: {  	(tag) =	ssettag $0x2  }
0x50: {  	s0 =	rddreg [dreg:$0x0];
	s2 =	stileid.u32  }
0x51: {  	s1 =	rddreg [dreg:$0x1];
	p0 =	sne.s32 s2, $0x0  }
0x52: {  	s3 =	rddreg [dreg:$0x2];
	[bflag:$0x3] =	sbarrier.arrive $0xFFFF;
	s2 =	simm.s32 @!p0 $0x1C01  }
0x53: {  	[timem:s3], [sflag:s2] =	dma.local @!p0 [hbm:s0], s1  }
0x54: {  	s0 =	simm.s32 @!p0 $0x1  }
0x55: {  	_ =	swait.ge @!p0 [sflag:s0], s1  }
0x56: {  	s1 =	ssub.s32 @!p0 $0x0, s1;
	[sflag:s0] =	ssyncset.done @!p0 $0x0  }
0x57: {  	[sflag:s0] =	ssyncadd.s32 @!p0 s1  }
0x58: {  	[bflag:$0x3] =	sbarrier.arrive $0xFFFF  }
0x59: {  	_ =	shalt  }

</sc_bundles>
